<compile_context>
chip_gen: v7x
topology: tpu7x:2x2x1
jax: 0.10.2.dev20260603
libtpu: 0.0.44.dev20260713+nightly
codegen_flags: <defaults>
</compile_context>

<pallas_src>
import functools

import jax
import jax.numpy as jnp
from jax import lax
from jax.experimental import pallas as pl
from jax.experimental.pallas import tpu as pltpu
from jax.experimental.pallas import tpu_sc as plsc

B = 8
N0 = 128 * 128
N1 = 64 * 64
K0 = int(0.75 * N0)
K1 = int(max(0.75, 0.9) * N1)

HB = 1024
HOFF = 7168
NCH = N0 // 16


def _sc_thresh_body(bits0_hbm, bits1_hbm, out_hbm, data_v, hist_v, tot_v,
                    comp_v):
    core = lax.axis_index("c")
    sub = lax.axis_index("s")
    wid = sub * 2 + core

    @pl.when(wid < 8)
    def _():
        pltpu.sync_copy(bits0_hbm.at[wid], data_v)

    @pl.when(jnp.logical_and(wid >= 8, wid < 16))
    def _():
        pltpu.sync_copy(bits1_hbm.at[wid - 8], data_v.at[pl.ds(0, N1)])

    @pl.when(wid < 16)
    def _():
        lane = jnp.arange(16, dtype=jnp.int32)
        ones = jnp.ones((16,), jnp.int32)
        zeros16 = jnp.zeros((16,), jnp.int32)
        lane_hb_off = lane * HB - HOFF
        k = jnp.where(wid < 8, K0, K1)

        @pl.when(wid >= 8)
        def _():
            def ztail(i, c):
                for u in range(8):
                    data_v[pl.ds(N1 + i * 128 + u * 16, 16)] = zeros16
                return c

            lax.fori_loop(0, (N0 - N1) // 128, ztail, 0)

        def zero_hist(i, c):
            for u in range(8):
                hist_v[pl.ds(i * 128 + u * 16, 16)] = zeros16
            return c

        lax.fori_loop(0, (16 * HB) // 128, zero_hist, 0)

        def hpass(i, c):
            for u in range(8):
                v = data_v[pl.ds((i * 8 + u) * 16, 16)]
                b = jnp.maximum(lax.shift_right_logical(v, 17), HOFF)
                plsc.addupdate_scatter(hist_v, [lane_hb_off + b], ones)
            return c

        lax.fori_loop(0, NCH // 8, hpass, 0)

        def collapse(i, c):
            acc = hist_v[pl.ds(i * 16, 16)]
            for l in range(1, 16):
                acc = acc + hist_v[pl.ds(l * HB + i * 16, 16)]
            tot_v[pl.ds(i * 16, 16)] = acc
            return c

        lax.fori_loop(0, HB // 16, collapse, 0)

        def scan1(i, carry):
            csum, c_star, csum_b = carry
            c = HB // 16 - 1 - i
            v = tot_v[pl.ds(c * 16, 16)]
            s = jnp.sum(v, axis=0)
            found = jnp.logical_and(csum < k, csum + s >= k)
            c_star = jnp.where(found, c, c_star)
            csum_b = jnp.where(found, csum, csum_b)
            return csum + s, c_star, csum_b

        _, c_star, csum_b = lax.fori_loop(0, HB // 16, scan1, (0, 0, 0))

        v = tot_v[pl.ds(c_star * 16, 16)]
        rv = lax.rev(v, (0,))
        cs = plsc.cumsum(rv)
        m = (cs + csum_b) >= k
        i0 = 16 - jnp.sum(m.astype(jnp.int32), axis=0)
        sel = lane == i0
        cs_at = jnp.sum(jnp.where(sel, cs, 0), axis=0)
        rv_at = jnp.sum(jnp.where(sel, rv, 0), axis=0)
        j_star = c_star * 16 + 15 - i0
        kprime = k - csum_b - cs_at + rv_at
        jsh = j_star + HOFF

        def compact(i, cnt_v):
            for u in range(8):
                v = data_v[pl.ds((i * 8 + u) * 16, 16)]
                m = lax.shift_right_logical(v, 17) == jsh
                plsc.store_scatter(comp_v, [cnt_v * 16 + lane], v, mask=m)
                cnt_v = cnt_v + m.astype(jnp.int32)
            return cnt_v

        cnt_v = lax.fori_loop(0, NCH // 8, compact,
                              jnp.zeros((16,), jnp.int32))
        maxc = jnp.max(cnt_v, axis=0)

        def count_ge(t):
            def cbody(j, acc):
                v = comp_v[pl.ds(j * 16, 16)]
                hit = jnp.logical_and(cnt_v > j, v >= t)
                return acc + jnp.where(hit, 1, 0)

            accv = lax.fori_loop(0, maxc, cbody,
                                 jnp.zeros((16,), jnp.int32))
            return jnp.sum(accv, axis=0)

        def bsearch(i, carry):
            lo, hi = carry
            mid = (lo + hi) >> 1
            ge = count_ge(mid) >= kprime
            return jnp.where(ge, mid, lo), jnp.where(ge, hi, mid)

        lo0 = jsh << 17
        lo, _ = lax.fori_loop(0, 17, bsearch, (lo0, lo0 + (1 << 17)))
        cnt = (k - kprime) + count_ge(lo)

        res = jnp.where(lane == 0, lo, jnp.where(lane == 1, cnt, 0))
        tot_v[pl.ds(0, 16)] = res
        pltpu.sync_copy(tot_v.at[pl.ds(0, 16)],
                        out_hbm.at[pl.ds(wid * 16, 16)])


_sc_thresh = functools.partial(
    pl.kernel,
    out_type=jax.ShapeDtypeStruct((256,), jnp.int32),
    mesh=plsc.VectorSubcoreMesh(core_axis_name="c", subcore_axis_name="s",
                                num_cores=2, num_subcores=16),
    compiler_params=pltpu.CompilerParams(needs_layout_passes=False),
    scratch_types=[
        pltpu.VMEM((N0,), jnp.int32),
        pltpu.VMEM((16 * HB,), jnp.int32),
        pltpu.VMEM((HB,), jnp.int32),
        pltpu.VMEM((N0,), jnp.int32),
    ],
)(_sc_thresh_body)


def _mul_body(thr0_ref, thr1_ref, cnt_ref, imp0_ref, imp1_ref,
              a0_ref, b0_ref, a1_ref, b1_ref,
              oa0_ref, ob0_ref, oa1_ref, ob1_ref, rates_ref):
    t0 = thr0_ref[0, 0, 0]
    m0 = imp0_ref[...] >= t0
    oa0_ref[...] = jnp.where(m0, a0_ref[...], 0.0)
    ob0_ref[...] = jnp.where(m0, b0_ref[...], 0.0)
    t1 = thr1_ref[0, 0, 0]
    m1 = imp1_ref[...] >= t1
    oa1_ref[...] = jnp.where(m1, a1_ref[...], 0.0)
    ob1_ref[...] = jnp.where(m1, b1_ref[...], 0.0)
    c0 = cnt_ref[0, 0]
    c1 = cnt_ref[0, 8]
    for i in range(1, 8):
        c0 = c0 + cnt_ref[0, i]
        c1 = c1 + cnt_ref[0, 8 + i]
    r0 = c0.astype(jnp.float32) / (B * N0)
    r1 = c1.astype(jnp.float32) / (B * N1)
    lane2 = lax.broadcasted_iota(jnp.int32, (1, 2), 1)
    rates_ref[...] = jnp.where(lane2 == 0, r0, r1)


def kernel(spikes_s0_t0, spikes_s0_t1, spikes_s1_t0, spikes_s1_t1,
           imp_s0, imp_s1, training):
    bits0 = jax.lax.bitcast_convert_type(imp_s0.reshape(B, N0), jnp.int32)
    bits1 = jax.lax.bitcast_convert_type(imp_s1.reshape(B, N1), jnp.int32)

    sc_out = _sc_thresh(bits0, bits1).reshape(16, 16)
    thr_bits = sc_out[:, 0]
    counts = sc_out[:, 1].reshape(1, 16)
    thr0 = jax.lax.bitcast_convert_type(thr_bits[0:8],
                                        jnp.float32).reshape(B, 1, 1)
    thr1 = jax.lax.bitcast_convert_type(thr_bits[8:16],
                                        jnp.float32).reshape(B, 1, 1)

    s10 = spikes_s1_t0.reshape(B, 128, 32, 128)
    s11 = spikes_s1_t1.reshape(B, 128, 32, 128)
    imp1 = imp_s1.reshape(B, 1, 32, 128)

    spec_thr = pl.BlockSpec((1, 1, 1), lambda i, j: (i, 0, 0),
                            memory_space=pltpu.SMEM)
    spec_s0 = pl.BlockSpec((1, 32, 128, 128), lambda i, j: (i, j, 0, 0))
    spec_s1 = pl.BlockSpec((1, 64, 32, 128), lambda i, j: (i, j, 0, 0))
    m00, m01, m10, m11, rates = pl.pallas_call(
        _mul_body,
        grid=(B, 2),
        in_specs=[
            spec_thr,
            spec_thr,
            pl.BlockSpec((1, 16), lambda i, j: (0, 0),
                         memory_space=pltpu.SMEM),
            pl.BlockSpec((1, 1, 128, 128), lambda i, j: (i, 0, 0, 0)),
            pl.BlockSpec((1, 1, 32, 128), lambda i, j: (i, 0, 0, 0)),
            spec_s0,
            spec_s0,
            spec_s1,
            spec_s1,
        ],
        out_specs=[spec_s0, spec_s0, spec_s1, spec_s1,
                   pl.BlockSpec((1, 2), lambda i, j: (0, 0))],
        out_shape=[
            jax.ShapeDtypeStruct(spikes_s0_t0.shape, jnp.float32),
            jax.ShapeDtypeStruct(spikes_s0_t1.shape, jnp.float32),
            jax.ShapeDtypeStruct(s10.shape, jnp.float32),
            jax.ShapeDtypeStruct(s11.shape, jnp.float32),
            jax.ShapeDtypeStruct((1, 2), jnp.float32),
        ],
    )(thr0, thr1, counts, imp_s0, imp1,
      spikes_s0_t0, spikes_s0_t1, s10, s11)

    m10 = m10.reshape(spikes_s1_t0.shape)
    m11 = m11.reshape(spikes_s1_t1.shape)
    return (m00, m01, m10, m11, rates.reshape(2))

# --- scband reference (transcript-rebuilt; emitter-appended) ---
"""Pipeline reference for scband-multi-scale-masker-det-30099130810830 (READ-ONLY COPY).

The authoritative reference and input builder live on the scoring server;
editing this copy changes nothing except your own understanding.
"""

import jax, jax.numpy as jnp
import numpy as np

TARGET_RATE = 0.75
MIN_COARSE_RATE = 0.9


def _make_mask(imp, rate):
    B, _, H, W = imp.shape
    k = max(1, int(rate * H * W))
    flat = imp.reshape(B, -1)
    _, idx = jax.lax.top_k(flat, k)
    mask = jnp.zeros_like(flat).at[jnp.arange(B)[:, None], idx].set(1.0)
    return mask.reshape(B, 1, H, W)


def setup_inputs(seed: int = 0):
    key = jax.random.key(seed)
    ks = jax.random.split(key, 6)
    return {
        "spikes_s0_t0": jax.random.normal(ks[0], (8, 64, 128, 128), dtype=jnp.float32),
        "spikes_s0_t1": jax.random.normal(ks[1], (8, 64, 128, 128), dtype=jnp.float32),
        "spikes_s1_t0": jax.random.normal(ks[2], (8, 128, 64, 64), dtype=jnp.float32),
        "spikes_s1_t1": jax.random.normal(ks[3], (8, 128, 64, 64), dtype=jnp.float32),
        "imp_s0": jax.random.uniform(ks[4], (8, 1, 128, 128), dtype=jnp.float32, minval=1e-4, maxval=1.0 - 1e-4),
        "imp_s1": jax.random.uniform(ks[5], (8, 1, 64, 64), dtype=jnp.float32, minval=1e-4, maxval=1.0 - 1e-4),
        "training": 0,
    }


def reference(spikes_s0_t0, spikes_s0_t1, spikes_s1_t0, spikes_s1_t1, imp_s0, imp_s1, training=0):
    # Deterministic (eval) branch of MultiScaleMaskerDet.forward: top-k mask per scale.
    # Scale 0 (fine): rate = target_rate. Scale 1 (coarse, last): rate = max(target, min_coarse_rate).
    mask0 = _make_mask(imp_s0, TARGET_RATE)
    mask1 = _make_mask(imp_s1, max(TARGET_RATE, MIN_COARSE_RATE))
    m00 = spikes_s0_t0 * mask0
    m01 = spikes_s0_t1 * mask0
    m10 = spikes_s1_t0 * mask1
    m11 = spikes_s1_t1 * mask1
    rates = jnp.stack([jnp.mean(mask0), jnp.mean(mask1)])
    return (m00, m01, m10, m11, rates)

if __name__ == "__main__":
    import jax
    _d = setup_inputs()
    print(jax.jit(kernel)(*tuple(_d.values())))

</pallas_src>

<mosaic_0001>
#map = affine_map<(d0, d1) -> (0, 0)>
#map1 = affine_map<(d0, d1) -> (0)>
module attributes {stable_mosaic.version = 14 : i64} {
  func.func @_sc_thresh_body(%arg0: i32, %arg1: i32, %arg2: memref<8x16384xi32, #tpu.memory_space<hbm>>, %arg3: memref<8x4096xi32, #tpu.memory_space<hbm>>, %arg4: memref<256xi32, #tpu.memory_space<hbm>>, %arg5: memref<16384xi32, #tpu.memory_space<vmem>>, %arg6: memref<16384xi32, #tpu.memory_space<vmem>>, %arg7: memref<1024xi32, #tpu.memory_space<vmem>>, %arg8: memref<16384xi32, #tpu.memory_space<vmem>>) attributes {dimension_semantics = [#tpu.dimension_semantics<core_parallel>, #tpu.dimension_semantics<subcore_parallel>], iteration_bounds = array<i64: 2, 16>, scalar_prefetch = 0 : i64, scratch_operands = 4 : i64, tpu.core_type = #tpu.core_type<sc_vector_subcore>, window_params = [{transform_indices = #map}, {transform_indices = #map}, {transform_indices = #map1}]} {
    %mul3A = arith.constant 2 : i32
    %mul3A_0 = arith.muli %arg1, %mul3A : i32
    %add3A = arith.addi %mul3A_0, %arg0 : i32
    %lt3A = arith.constant 8 : i32
    %lt3A_1 = arith.cmpi slt, %add3A, %lt3A : i32
    %convert_element_type3A = arith.extui %lt3A_1 : i1 to i32
    %cond3A = arith.constant 0 : i32
    %cond3A_2 = arith.cmpi ne, %convert_element_type3A, %cond3A : i32
    scf.if %cond3A_2 {
      "tpu.region"() ({
        %run_scoped3A = tpu.sem_alloc : memref<!tpu.dma_semaphore, #tpu.memory_space<semaphore_mem>>
        %dma_start3A = arith.constant 0 : i32
        %dma_start3A_14 = tpu.memref_slice %arg2[%add3A, %dma_start3A] : memref<8x16384xi32, #tpu.memory_space<hbm>> -> memref<1x16384xi32, #tpu.memory_space<hbm>>
        %dma_start3A_15 = tpu.memref_squeeze %dma_start3A_14 : memref<1x16384xi32, #tpu.memory_space<hbm>> -> memref<16384xi32, #tpu.memory_space<hbm>>
        %dma_start3A_16 = arith.constant 0 : i32
        %dma_start3A_17 = tpu.memref_slice %arg2[%add3A, %dma_start3A_16] : memref<8x16384xi32, #tpu.memory_space<hbm>> -> memref<1x16384xi32, #tpu.memory_space<hbm>>
        %dma_start3A_18 = tpu.memref_squeeze %dma_start3A_17 : memref<1x16384xi32, #tpu.memory_space<hbm>> -> memref<16384xi32, #tpu.memory_space<hbm>>
        tpu.enqueue_dma source(%dma_start3A_18 : memref<16384xi32, #tpu.memory_space<hbm>>) target(%arg5 : memref<16384xi32, #tpu.memory_space<vmem>>) target_semaphore(%run_scoped3A : memref<!tpu.dma_semaphore, #tpu.memory_space<semaphore_mem>>)
        %dma_wait3A = arith.constant 0 : i32
        %dma_wait3A_19 = tpu.memref_slice %arg2[%add3A, %dma_wait3A] : memref<8x16384xi32, #tpu.memory_space<hbm>> -> memref<1x16384xi32, #tpu.memory_space<hbm>>
        %dma_wait3A_20 = tpu.memref_squeeze %dma_wait3A_19 : memref<1x16384xi32, #tpu.memory_space<hbm>> -> memref<16384xi32, #tpu.memory_space<hbm>>
        %dma_wait3A_21 = arith.constant 0 : i32
        %dma_wait3A_22 = tpu.memref_slice %arg2[%add3A, %dma_wait3A_21] : memref<8x16384xi32, #tpu.memory_space<hbm>> -> memref<1x16384xi32, #tpu.memory_space<hbm>>
        %dma_wait3A_23 = tpu.memref_squeeze %dma_wait3A_22 : memref<1x16384xi32, #tpu.memory_space<hbm>> -> memref<16384xi32, #tpu.memory_space<hbm>>
        tpu.wait_dma2 semaphore(%run_scoped3A : memref<!tpu.dma_semaphore, #tpu.memory_space<semaphore_mem>>) src(%dma_wait3A_23 : memref<16384xi32, #tpu.memory_space<hbm>>) dst(%arg5 : memref<16384xi32, #tpu.memory_space<vmem>>)
        tpu.yield
      }) : () -> ()
    } else {
    }
    %ge3A = arith.constant 8 : i32
    %ge3A_3 = arith.cmpi sge, %add3A, %ge3A : i32
    %lt3A_4 = arith.constant 16 : i32
    %lt3A_5 = arith.cmpi slt, %add3A, %lt3A_4 : i32
    %and3A = arith.andi %ge3A_3, %lt3A_5 : i1
    %convert_element_type3A_6 = arith.extui %and3A : i1 to i32
    %cond3A_7 = arith.constant 0 : i32
    %cond3A_8 = arith.cmpi ne, %convert_element_type3A_6, %cond3A_7 : i32
    scf.if %cond3A_8 {
      %sub3A = arith.constant 8 : i32
      %sub3A_14 = arith.subi %add3A, %sub3A : i32
      "tpu.region"() ({
        %run_scoped3A = tpu.sem_alloc : memref<!tpu.dma_semaphore, #tpu.memory_space<semaphore_mem>>
        %dma_start3A = arith.constant 0 : i32
        %dma_start3A_15 = tpu.memref_slice %arg5[%dma_start3A] : memref<16384xi32, #tpu.memory_space<vmem>> -> memref<4096xi32, #tpu.memory_space<vmem>>
        %dma_start3A_16 = arith.constant 0 : i32
        %dma_start3A_17 = tpu.memref_slice %arg3[%sub3A_14, %dma_start3A_16] : memref<8x4096xi32, #tpu.memory_space<hbm>> -> memref<1x4096xi32, #tpu.memory_space<hbm>>
        %dma_start3A_18 = tpu.memref_squeeze %dma_start3A_17 : memref<1x4096xi32, #tpu.memory_space<hbm>> -> memref<4096xi32, #tpu.memory_space<hbm>>
        %dma_start3A_19 = arith.constant 0 : i32
        %dma_start3A_20 = tpu.memref_slice %arg5[%dma_start3A_19] : memref<16384xi32, #tpu.memory_space<vmem>> -> memref<4096xi32, #tpu.memory_space<vmem>>
        %dma_start3A_21 = arith.constant 0 : i32
        %dma_start3A_22 = tpu.memref_slice %arg3[%sub3A_14, %dma_start3A_21] : memref<8x4096xi32, #tpu.memory_space<hbm>> -> memref<1x4096xi32, #tpu.memory_space<hbm>>
        %dma_start3A_23 = tpu.memref_squeeze %dma_start3A_22 : memref<1x4096xi32, #tpu.memory_space<hbm>> -> memref<4096xi32, #tpu.memory_space<hbm>>
        tpu.enqueue_dma source(%dma_start3A_23 : memref<4096xi32, #tpu.memory_space<hbm>>) target(%dma_start3A_20 : memref<4096xi32, #tpu.memory_space<vmem>>) target_semaphore(%run_scoped3A : memref<!tpu.dma_semaphore, #tpu.memory_space<semaphore_mem>>)
        %dma_wait3A = arith.constant 0 : i32
        %dma_wait3A_24 = tpu.memref_slice %arg5[%dma_wait3A] : memref<16384xi32, #tpu.memory_space<vmem>> -> memref<4096xi32, #tpu.memory_space<vmem>>
        %dma_wait3A_25 = arith.constant 0 : i32
        %dma_wait3A_26 = tpu.memref_slice %arg3[%sub3A_14, %dma_wait3A_25] : memref<8x4096xi32, #tpu.memory_space<hbm>> -> memref<1x4096xi32, #tpu.memory_space<hbm>>
        %dma_wait3A_27 = tpu.memref_squeeze %dma_wait3A_26 : memref<1x4096xi32, #tpu.memory_space<hbm>> -> memref<4096xi32, #tpu.memory_space<hbm>>
        %dma_wait3A_28 = arith.constant 0 : i32
        %dma_wait3A_29 = tpu.memref_slice %arg5[%dma_wait3A_28] : memref<16384xi32, #tpu.memory_space<vmem>> -> memref<4096xi32, #tpu.memory_space<vmem>>
        %dma_wait3A_30 = arith.constant 0 : i32
        %dma_wait3A_31 = tpu.memref_slice %arg3[%sub3A_14, %dma_wait3A_30] : memref<8x4096xi32, #tpu.memory_space<hbm>> -> memref<1x4096xi32, #tpu.memory_space<hbm>>
        %dma_wait3A_32 = tpu.memref_squeeze %dma_wait3A_31 : memref<1x4096xi32, #tpu.memory_space<hbm>> -> memref<4096xi32, #tpu.memory_space<hbm>>
        tpu.wait_dma2 semaphore(%run_scoped3A : memref<!tpu.dma_semaphore, #tpu.memory_space<semaphore_mem>>) src(%dma_wait3A_32 : memref<4096xi32, #tpu.memory_space<hbm>>) dst(%dma_wait3A_29 : memref<4096xi32, #tpu.memory_space<vmem>>)
        tpu.yield
      }) : () -> ()
    } else {
    }
    %lt3A_9 = arith.constant 16 : i32
    %lt3A_10 = arith.cmpi slt, %add3A, %lt3A_9 : i32
    %convert_element_type3A_11 = arith.extui %lt3A_10 : i1 to i32
    %cond3A_12 = arith.constant 0 : i32
    %cond3A_13 = arith.cmpi ne, %convert_element_type3A_11, %cond3A_12 : i32
    scf.if %cond3A_13 {
      %iota3A = tpu.iota {dimensions = array<i32: 0>} : vector<16xi32>
      %broadcast_in_dim3A = arith.constant 1 : i32
      %broadcast_in_dim3A_14 = vector.broadcast %broadcast_in_dim3A : i32 to vector<16xi32>
      %broadcast_in_dim3A_15 = arith.constant 0 : i32
      %broadcast_in_dim3A_16 = vector.broadcast %broadcast_in_dim3A_15 : i32 to vector<16xi32>
      %mul3A_17 = arith.constant 1024 : i32
      %mul3A_18 = vector.broadcast %mul3A_17 : i32 to vector<16xi32>
      %mul3A_19 = arith.muli %iota3A, %mul3A_18 : vector<16xi32>
      %sub3A = arith.constant 7168 : i32
      %sub3A_20 = vector.broadcast %sub3A : i32 to vector<16xi32>
      %sub3A_21 = arith.subi %mul3A_19, %sub3A_20 : vector<16xi32>
      %lt3A_22 = arith.constant 8 : i32
      %lt3A_23 = arith.cmpi slt, %add3A, %lt3A_22 : i32
      %jit3A = arith.constant 12288 : i32
      %jit3A_24 = arith.constant 3686 : i32
      %select_n3A = arith.select %lt3A_23, %jit3A, %jit3A_24 : i32
      %ge3A_25 = arith.constant 8 : i32
      %ge3A_26 = arith.cmpi sge, %add3A, %ge3A_25 : i32
      %convert_element_type3A_27 = arith.extui %ge3A_26 : i1 to i32
      %cond3A_28 = arith.constant 0 : i32
      %cond3A_29 = arith.cmpi ne, %convert_element_type3A_27, %cond3A_28 : i32
      scf.if %cond3A_29 {
        %scan3A_157 = arith.constant 0 : i32
        %scan3A_158 = arith.constant 0 : i32
        %scan3A_159 = arith.constant 96 : i32
        %scan3A_160 = arith.addi %scan3A_158, %scan3A_159 : i32
        %scan3A_161 = arith.constant 1 : i32
        scf.for %scan3A_163 = %scan3A_158 to %scan3A_160 step %scan3A_161  : i32 {
          %mul3A_164 = arith.constant 128 : i32
          %mul3A_165 = arith.muli %scan3A_163, %mul3A_164 : i32
          %add3A_166 = arith.constant 4096 : i32
          %add3A_167 = arith.addi %add3A_166, %mul3A_165 : i32
          %add3A_168 = arith.constant 0 : i32
          %add3A_169 = arith.addi %add3A_167, %add3A_168 : i32
          %swap3A_170 = arith.index_cast %add3A_169 : i32 to index
          %swap3A_171 = tpu.vector_load %arg5[%swap3A_170] {strides = array<i32>} : memref<16384xi32, #tpu.memory_space<vmem>>, vector<16xi32>,
          tpu.vector_store %arg5[%swap3A_170], %broadcast_in_dim3A_16 {strides = array<i32>} : memref<16384xi32, #tpu.memory_space<vmem>>, vector<16xi32>,
          %mul3A_172 = arith.constant 128 : i32
          %mul3A_173 = arith.muli %scan3A_163, %mul3A_172 : i32
          %add3A_174 = arith.constant 4096 : i32
          %add3A_175 = arith.addi %add3A_174, %mul3A_173 : i32
          %add3A_176 = arith.constant 16 : i32
          %add3A_177 = arith.addi %add3A_175, %add3A_176 : i32
          %swap3A_178 = arith.index_cast %add3A_177 : i32 to index
          %swap3A_179 = tpu.vector_load %arg5[%swap3A_178] {strides = array<i32>} : memref<16384xi32, #tpu.memory_space<vmem>>, vector<16xi32>,
          tpu.vector_store %arg5[%swap3A_178], %broadcast_in_dim3A_16 {strides = array<i32>} : memref<16384xi32, #tpu.memory_space<vmem>>, vector<16xi32>,
          %mul3A_180 = arith.constant 128 : i32
          %mul3A_181 = arith.muli %scan3A_163, %mul3A_180 : i32
          %add3A_182 = arith.constant 4096 : i32
          %add3A_183 = arith.addi %add3A_182, %mul3A_181 : i32
          %add3A_184 = arith.constant 32 : i32
          %add3A_185 = arith.addi %add3A_183, %add3A_184 : i32
          %swap3A_186 = arith.index_cast %add3A_185 : i32 to index
          %swap3A_187 = tpu.vector_load %arg5[%swap3A_186] {strides = array<i32>} : memref<16384xi32, #tpu.memory_space<vmem>>, vector<16xi32>,
          tpu.vector_store %arg5[%swap3A_186], %broadcast_in_dim3A_16 {strides = array<i32>} : memref<16384xi32, #tpu.memory_space<vmem>>, vector<16xi32>,
          %mul3A_188 = arith.constant 128 : i32
          %mul3A_189 = arith.muli %scan3A_163, %mul3A_188 : i32
          %add3A_190 = arith.constant 4096 : i32
          %add3A_191 = arith.addi %add3A_190, %mul3A_189 : i32
          %add3A_192 = arith.constant 48 : i32
          %add3A_193 = arith.addi %add3A_191, %add3A_192 : i32
          %swap3A_194 = arith.index_cast %add3A_193 : i32 to index
          %swap3A_195 = tpu.vector_load %arg5[%swap3A_194] {strides = array<i32>} : memref<16384xi32, #tpu.memory_space<vmem>>, vector<16xi32>,
          tpu.vector_store %arg5[%swap3A_194], %broadcast_in_dim3A_16 {strides = array<i32>} : memref<16384xi32, #tpu.memory_space<vmem>>, vector<16xi32>,
          %mul3A_196 = arith.constant 128 : i32
          %mul3A_197 = arith.muli %scan3A_163, %mul3A_196 : i32
          %add3A_198 = arith.constant 4096 : i32
          %add3A_199 = arith.addi %add3A_198, %mul3A_197 : i32
          %add3A_200 = arith.constant 64 : i32
          %add3A_201 = arith.addi %add3A_199, %add3A_200 : i32
          %swap3A_202 = arith.index_cast %add3A_201 : i32 to index
          %swap3A_203 = tpu.vector_load %arg5[%swap3A_202] {strides = array<i32>} : memref<16384xi32, #tpu.memory_space<vmem>>, vector<16xi32>,
          tpu.vector_store %arg5[%swap3A_202], %broadcast_in_dim3A_16 {strides = array<i32>} : memref<16384xi32, #tpu.memory_space<vmem>>, vector<16xi32>,
          %mul3A_204 = arith.constant 128 : i32
          %mul3A_205 = arith.muli %scan3A_163, %mul3A_204 : i32
          %add3A_206 = arith.constant 4096 : i32
          %add3A_207 = arith.addi %add3A_206, %mul3A_205 : i32
          %add3A_208 = arith.constant 80 : i32
          %add3A_209 = arith.addi %add3A_207, %add3A_208 : i32
          %swap3A_210 = arith.index_cast %add3A_209 : i32 to index
          %swap3A_211 = tpu.vector_load %arg5[%swap3A_210] {strides = array<i32>} : memref<16384xi32, #tpu.memory_space<vmem>>, vector<16xi32>,
          tpu.vector_store %arg5[%swap3A_210], %broadcast_in_dim3A_16 {strides = array<i32>} : memref<16384xi32, #tpu.memory_space<vmem>>, vector<16xi32>,
          %mul3A_212 = arith.constant 128 : i32
          %mul3A_213 = arith.muli %scan3A_163, %mul3A_212 : i32
          %add3A_214 = arith.constant 4096 : i32
          %add3A_215 = arith.addi %add3A_214, %mul3A_213 : i32
          %add3A_216 = arith.constant 96 : i32
          %add3A_217 = arith.addi %add3A_215, %add3A_216 : i32
          %swap3A_218 = arith.index_cast %add3A_217 : i32 to index
          %swap3A_219 = tpu.vector_load %arg5[%swap3A_218] {strides = array<i32>} : memref<16384xi32, #tpu.memory_space<vmem>>, vector<16xi32>,
          tpu.vector_store %arg5[%swap3A_218], %broadcast_in_dim3A_16 {strides = array<i32>} : memref<16384xi32, #tpu.memory_space<vmem>>, vector<16xi32>,
          %mul3A_220 = arith.constant 128 : i32
          %mul3A_221 = arith.muli %scan3A_163, %mul3A_220 : i32
          %add3A_222 = arith.constant 4096 : i32
          %add3A_223 = arith.addi %add3A_222, %mul3A_221 : i32
          %add3A_224 = arith.constant 112 : i32
          %add3A_225 = arith.addi %add3A_223, %add3A_224 : i32
          %swap3A_226 = arith.index_cast %add3A_225 : i32 to index
          %swap3A_227 = tpu.vector_load %arg5[%swap3A_226] {strides = array<i32>} : memref<16384xi32, #tpu.memory_space<vmem>>, vector<16xi32>,
          tpu.vector_store %arg5[%swap3A_226], %broadcast_in_dim3A_16 {strides = array<i32>} : memref<16384xi32, #tpu.memory_space<vmem>>, vector<16xi32>,
        }
        %scan3A_162 = arith.constant 96 : i32
      } else {
      }
      %scan3A = arith.constant 0 : i32
      %scan3A_30 = arith.constant 0 : i32
      %scan3A_31 = arith.constant 128 : i32
      %scan3A_32 = arith.addi %scan3A_30, %scan3A_31 : i32
      %scan3A_33 = arith.constant 1 : i32
      scf.for %scan3A_157 = %scan3A_30 to %scan3A_32 step %scan3A_33  : i32 {
        %mul3A_158 = arith.constant 128 : i32
        %mul3A_159 = arith.muli %scan3A_157, %mul3A_158 : i32
        %add3A_160 = arith.constant 0 : i32
        %add3A_161 = arith.addi %mul3A_159, %add3A_160 : i32
        %swap3A_162 = arith.index_cast %add3A_161 : i32 to index
        %swap3A_163 = tpu.vector_load %arg6[%swap3A_162] {strides = array<i32>} : memref<16384xi32, #tpu.memory_space<vmem>>, vector<16xi32>,
        tpu.vector_store %arg6[%swap3A_162], %broadcast_in_dim3A_16 {strides = array<i32>} : memref<16384xi32, #tpu.memory_space<vmem>>, vector<16xi32>,
        %mul3A_164 = arith.constant 128 : i32
        %mul3A_165 = arith.muli %scan3A_157, %mul3A_164 : i32
        %add3A_166 = arith.constant 16 : i32
        %add3A_167 = arith.addi %mul3A_165, %add3A_166 : i32
        %swap3A_168 = arith.index_cast %add3A_167 : i32 to index
        %swap3A_169 = tpu.vector_load %arg6[%swap3A_168] {strides = array<i32>} : memref<16384xi32, #tpu.memory_space<vmem>>, vector<16xi32>,
        tpu.vector_store %arg6[%swap3A_168], %broadcast_in_dim3A_16 {strides = array<i32>} : memref<16384xi32, #tpu.memory_space<vmem>>, vector<16xi32>,
        %mul3A_170 = arith.constant 128 : i32
        %mul3A_171 = arith.muli %scan3A_157, %mul3A_170 : i32
        %add3A_172 = arith.constant 32 : i32
        %add3A_173 = arith.addi %mul3A_171, %add3A_172 : i32
        %swap3A_174 = arith.index_cast %add3A_173 : i32 to index
        %swap3A_175 = tpu.vector_load %arg6[%swap3A_174] {strides = array<i32>} : memref<16384xi32, #tpu.memory_space<vmem>>, vector<16xi32>,
        tpu.vector_store %arg6[%swap3A_174], %broadcast_in_dim3A_16 {strides = array<i32>} : memref<16384xi32, #tpu.memory_space<vmem>>, vector<16xi32>,
        %mul3A_176 = arith.constant 128 : i32
        %mul3A_177 = arith.muli %scan3A_157, %mul3A_176 : i32
        %add3A_178 = arith.constant 48 : i32
        %add3A_179 = arith.addi %mul3A_177, %add3A_178 : i32
        %swap3A_180 = arith.index_cast %add3A_179 : i32 to index
        %swap3A_181 = tpu.vector_load %arg6[%swap3A_180] {strides = array<i32>} : memref<16384xi32, #tpu.memory_space<vmem>>, vector<16xi32>,
        tpu.vector_store %arg6[%swap3A_180], %broadcast_in_dim3A_16 {strides = array<i32>} : memref<16384xi32, #tpu.memory_space<vmem>>, vector<16xi32>,
        %mul3A_182 = arith.constant 128 : i32
        %mul3A_183 = arith.muli %scan3A_157, %mul3A_182 : i32
        %add3A_184 = arith.constant 64 : i32
        %add3A_185 = arith.addi %mul3A_183, %add3A_184 : i32
        %swap3A_186 = arith.index_cast %add3A_185 : i32 to index
        %swap3A_187 = tpu.vector_load %arg6[%swap3A_186] {strides = array<i32>} : memref<16384xi32, #tpu.memory_space<vmem>>, vector<16xi32>,
        tpu.vector_store %arg6[%swap3A_186], %broadcast_in_dim3A_16 {strides = array<i32>} : memref<16384xi32, #tpu.memory_space<vmem>>, vector<16xi32>,
        %mul3A_188 = arith.constant 128 : i32
        %mul3A_189 = arith.muli %scan3A_157, %mul3A_188 : i32
        %add3A_190 = arith.constant 80 : i32
        %add3A_191 = arith.addi %mul3A_189, %add3A_190 : i32
        %swap3A_192 = arith.index_cast %add3A_191 : i32 to index
        %swap3A_193 = tpu.vector_load %arg6[%swap3A_192] {strides = array<i32>} : memref<16384xi32, #tpu.memory_space<vmem>>, vector<16xi32>,
        tpu.vector_store %arg6[%swap3A_192], %broadcast_in_dim3A_16 {strides = array<i32>} : memref<16384xi32, #tpu.memory_space<vmem>>, vector<16xi32>,
        %mul3A_194 = arith.constant 128 : i32
        %mul3A_195 = arith.muli %scan3A_157, %mul3A_194 : i32
        %add3A_196 = arith.constant 96 : i32
        %add3A_197 = arith.addi %mul3A_195, %add3A_196 : i32
        %swap3A_198 = arith.index_cast %add3A_197 : i32 to index
        %swap3A_199 = tpu.vector_load %arg6[%swap3A_198] {strides = array<i32>} : memref<16384xi32, #tpu.memory_space<vmem>>, vector<16xi32>,
        tpu.vector_store %arg6[%swap3A_198], %broadcast_in_dim3A_16 {strides = array<i32>} : memref<16384xi32, #tpu.memory_space<vmem>>, vector<16xi32>,
        %mul3A_200 = arith.constant 128 : i32
        %mul3A_201 = arith.muli %scan3A_157, %mul3A_200 : i32
        %add3A_202 = arith.constant 112 : i32
        %add3A_203 = arith.addi %mul3A_201, %add3A_202 : i32
        %swap3A_204 = arith.index_cast %add3A_203 : i32 to index
        %swap3A_205 = tpu.vector_load %arg6[%swap3A_204] {strides = array<i32>} : memref<16384xi32, #tpu.memory_space<vmem>>, vector<16xi32>,
        tpu.vector_store %arg6[%swap3A_204], %broadcast_in_dim3A_16 {strides = array<i32>} : memref<16384xi32, #tpu.memory_space<vmem>>, vector<16xi32>,
      }
      %scan3A_34 = arith.constant 128 : i32
      %scan3A_35 = arith.constant 0 : i32
      %scan3A_36 = arith.constant 0 : i32
      %scan3A_37 = arith.constant 128 : i32
      %scan3A_38 = arith.addi %scan3A_36, %scan3A_37 : i32
      %scan3A_39 = arith.constant 1 : i32
      scf.for %scan3A_157 = %scan3A_36 to %scan3A_38 step %scan3A_39  : i32 {
        %mul3A_158 = arith.constant 8 : i32
        %mul3A_159 = arith.muli %scan3A_157, %mul3A_158 : i32
        %add3A_160 = arith.constant 0 : i32
        %add3A_161 = arith.addi %mul3A_159, %add3A_160 : i32
        %mul3A_162 = arith.constant 16 : i32
        %mul3A_163 = arith.muli %add3A_161, %mul3A_162 : i32
        %get3A_164 = arith.index_cast %mul3A_163 : i32 to index
        %get3A_165 = tpu.vector_load %arg5[%get3A_164] {strides = array<i32>} : memref<16384xi32, #tpu.memory_space<vmem>>, vector<16xi32>,
        %shift_right_logical3A = arith.constant 17 : i32
        %shift_right_logical3A_166 = vector.broadcast %shift_right_logical3A : i32 to vector<16xi32>
        %shift_right_logical3A_167 = arith.shrui %get3A_165, %shift_right_logical3A_166 : vector<16xi32>
        %max3A = arith.constant 7168 : i32
        %max3A_168 = vector.broadcast %max3A : i32 to vector<16xi32>
        %max3A_169 = arith.maxsi %shift_right_logical3A_167, %max3A_168 : vector<16xi32>
        %add3A_170 = arith.addi %sub3A_21, %max3A_169 : vector<16xi32>
        tpu.vector_store_idx %arg6[%add3A_170], %broadcast_in_dim3A_14 {add = true} : memref<16384xi32, #tpu.memory_space<vmem>>[vector<16xi32>], vector<16xi32>,
        %mul3A_171 = arith.constant 8 : i32
        %mul3A_172 = arith.muli %scan3A_157, %mul3A_171 : i32
        %add3A_173 = arith.constant 1 : i32
        %add3A_174 = arith.addi %mul3A_172, %add3A_173 : i32
        %mul3A_175 = arith.constant 16 : i32
        %mul3A_176 = arith.muli %add3A_174, %mul3A_175 : i32
        %get3A_177 = arith.index_cast %mul3A_176 : i32 to index
        %get3A_178 = tpu.vector_load %arg5[%get3A_177] {strides = array<i32>} : memref<16384xi32, #tpu.memory_space<vmem>>, vector<16xi32>,
        %shift_right_logical3A_179 = arith.constant 17 : i32
        %shift_right_logical3A_180 = vector.broadcast %shift_right_logical3A_179 : i32 to vector<16xi32>
        %shift_right_logical3A_181 = arith.shrui %get3A_178, %shift_right_logical3A_180 : vector<16xi32>
        %max3A_182 = arith.constant 7168 : i32
        %max3A_183 = vector.broadcast %max3A_182 : i32 to vector<16xi32>
        %max3A_184 = arith.maxsi %shift_right_logical3A_181, %max3A_183 : vector<16xi32>
        %add3A_185 = arith.addi %sub3A_21, %max3A_184 : vector<16xi32>
        tpu.vector_store_idx %arg6[%add3A_185], %broadcast_in_dim3A_14 {add = true} : memref<16384xi32, #tpu.memory_space<vmem>>[vector<16xi32>], vector<16xi32>,
        %mul3A_186 = arith.constant 8 : i32
        %mul3A_187 = arith.muli %scan3A_157, %mul3A_186 : i32
        %add3A_188 = arith.constant 2 : i32
        %add3A_189 = arith.addi %mul3A_187, %add3A_188 : i32
        %mul3A_190 = arith.constant 16 : i32
        %mul3A_191 = arith.muli %add3A_189, %mul3A_190 : i32
        %get3A_192 = arith.index_cast %mul3A_191 : i32 to index
        %get3A_193 = tpu.vector_load %arg5[%get3A_192] {strides = array<i32>} : memref<16384xi32, #tpu.memory_space<vmem>>, vector<16xi32>,
        %shift_right_logical3A_194 = arith.constant 17 : i32
        %shift_right_logical3A_195 = vector.broadcast %shift_right_logical3A_194 : i32 to vector<16xi32>
        %shift_right_logical3A_196 = arith.shrui %get3A_193, %shift_right_logical3A_195 : vector<16xi32>
        %max3A_197 = arith.constant 7168 : i32
        %max3A_198 = vector.broadcast %max3A_197 : i32 to vector<16xi32>
        %max3A_199 = arith.maxsi %shift_right_logical3A_196, %max3A_198 : vector<16xi32>
        %add3A_200 = arith.addi %sub3A_21, %max3A_199 : vector<16xi32>
        tpu.vector_store_idx %arg6[%add3A_200], %broadcast_in_dim3A_14 {add = true} : memref<16384xi32, #tpu.memory_space<vmem>>[vector<16xi32>], vector<16xi32>,
        %mul3A_201 = arith.constant 8 : i32
        %mul3A_202 = arith.muli %scan3A_157, %mul3A_201 : i32
        %add3A_203 = arith.constant 3 : i32
        %add3A_204 = arith.addi %mul3A_202, %add3A_203 : i32
        %mul3A_205 = arith.constant 16 : i32
        %mul3A_206 = arith.muli %add3A_204, %mul3A_205 : i32
        %get3A_207 = arith.index_cast %mul3A_206 : i32 to index
        %get3A_208 = tpu.vector_load %arg5[%get3A_207] {strides = array<i32>} : memref<16384xi32, #tpu.memory_space<vmem>>, vector<16xi32>,
        %shift_right_logical3A_209 = arith.constant 17 : i32
        %shift_right_logical3A_210 = vector.broadcast %shift_right_logical3A_209 : i32 to vector<16xi32>
        %shift_right_logical3A_211 = arith.shrui %get3A_208, %shift_right_logical3A_210 : vector<16xi32>
        %max3A_212 = arith.constant 7168 : i32
        %max3A_213 = vector.broadcast %max3A_212 : i32 to vector<16xi32>
        %max3A_214 = arith.maxsi %shift_right_logical3A_211, %max3A_213 : vector<16xi32>
        %add3A_215 = arith.addi %sub3A_21, %max3A_214 : vector<16xi32>
        tpu.vector_store_idx %arg6[%add3A_215], %broadcast_in_dim3A_14 {add = true} : memref<16384xi32, #tpu.memory_space<vmem>>[vector<16xi32>], vector<16xi32>,
        %mul3A_216 = arith.constant 8 : i32
        %mul3A_217 = arith.muli %scan3A_157, %mul3A_216 : i32
        %add3A_218 = arith.constant 4 : i32
        %add3A_219 = arith.addi %mul3A_217, %add3A_218 : i32
        %mul3A_220 = arith.constant 16 : i32
        %mul3A_221 = arith.muli %add3A_219, %mul3A_220 : i32
        %get3A_222 = arith.index_cast %mul3A_221 : i32 to index
        %get3A_223 = tpu.vector_load %arg5[%get3A_222] {strides = array<i32>} : memref<16384xi32, #tpu.memory_space<vmem>>, vector<16xi32>,
        %shift_right_logical3A_224 = arith.constant 17 : i32
        %shift_right_logical3A_225 = vector.broadcast %shift_right_logical3A_224 : i32 to vector<16xi32>
        %shift_right_logical3A_226 = arith.shrui %get3A_223, %shift_right_logical3A_225 : vector<16xi32>
        %max3A_227 = arith.constant 7168 : i32
        %max3A_228 = vector.broadcast %max3A_227 : i32 to vector<16xi32>
        %max3A_229 = arith.maxsi %shift_right_logical3A_226, %max3A_228 : vector<16xi32>
        %add3A_230 = arith.addi %sub3A_21, %max3A_229 : vector<16xi32>
        tpu.vector_store_idx %arg6[%add3A_230], %broadcast_in_dim3A_14 {add = true} : memref<16384xi32, #tpu.memory_space<vmem>>[vector<16xi32>], vector<16xi32>,
        %mul3A_231 = arith.constant 8 : i32
        %mul3A_232 = arith.muli %scan3A_157, %mul3A_231 : i32
        %add3A_233 = arith.constant 5 : i32
        %add3A_234 = arith.addi %mul3A_232, %add3A_233 : i32
        %mul3A_235 = arith.constant 16 : i32
        %mul3A_236 = arith.muli %add3A_234, %mul3A_235 : i32
        %get3A_237 = arith.index_cast %mul3A_236 : i32 to index
        %get3A_238 = tpu.vector_load %arg5[%get3A_237] {strides = array<i32>} : memref<16384xi32, #tpu.memory_space<vmem>>, vector<16xi32>,
        %shift_right_logical3A_239 = arith.constant 17 : i32
        %shift_right_logical3A_240 = vector.broadcast %shift_right_logical3A_239 : i32 to vector<16xi32>
        %shift_right_logical3A_241 = arith.shrui %get3A_238, %shift_right_logical3A_240 : vector<16xi32>
        %max3A_242 = arith.constant 7168 : i32
        %max3A_243 = vector.broadcast %max3A_242 : i32 to vector<16xi32>
        %max3A_244 = arith.maxsi %shift_right_logical3A_241, %max3A_243 : vector<16xi32>
        %add3A_245 = arith.addi %sub3A_21, %max3A_244 : vector<16xi32>
        tpu.vector_store_idx %arg6[%add3A_245], %broadcast_in_dim3A_14 {add = true} : memref<16384xi32, #tpu.memory_space<vmem>>[vector<16xi32>], vector<16xi32>,
        %mul3A_246 = arith.constant 8 : i32
        %mul3A_247 = arith.muli %scan3A_157, %mul3A_246 : i32
        %add3A_248 = arith.constant 6 : i32
        %add3A_249 = arith.addi %mul3A_247, %add3A_248 : i32
        %mul3A_250 = arith.constant 16 : i32
        %mul3A_251 = arith.muli %add3A_249, %mul3A_250 : i32
        %get3A_252 = arith.index_cast %mul3A_251 : i32 to index
        %get3A_253 = tpu.vector_load %arg5[%get3A_252] {strides = array<i32>} : memref<16384xi32, #tpu.memory_space<vmem>>, vector<16xi32>,
        %shift_right_logical3A_254 = arith.constant 17 : i32
        %shift_right_logical3A_255 = vector.broadcast %shift_right_logical3A_254 : i32 to vector<16xi32>
        %shift_right_logical3A_256 = arith.shrui %get3A_253, %shift_right_logical3A_255 : vector<16xi32>
        %max3A_257 = arith.constant 7168 : i32
        %max3A_258 = vector.broadcast %max3A_257 : i32 to vector<16xi32>
        %max3A_259 = arith.maxsi %shift_right_logical3A_256, %max3A_258 : vector<16xi32>
        %add3A_260 = arith.addi %sub3A_21, %max3A_259 : vector<16xi32>
        tpu.vector_store_idx %arg6[%add3A_260], %broadcast_in_dim3A_14 {add = true} : memref<16384xi32, #tpu.memory_space<vmem>>[vector<16xi32>], vector<16xi32>,
        %mul3A_261 = arith.constant 8 : i32
        %mul3A_262 = arith.muli %scan3A_157, %mul3A_261 : i32
        %add3A_263 = arith.constant 7 : i32
        %add3A_264 = arith.addi %mul3A_262, %add3A_263 : i32
        %mul3A_265 = arith.constant 16 : i32
        %mul3A_266 = arith.muli %add3A_264, %mul3A_265 : i32
        %get3A_267 = arith.index_cast %mul3A_266 : i32 to index
        %get3A_268 = tpu.vector_load %arg5[%get3A_267] {strides = array<i32>} : memref<16384xi32, #tpu.memory_space<vmem>>, vector<16xi32>,
        %shift_right_logical3A_269 = arith.constant 17 : i32
        %shift_right_logical3A_270 = vector.broadcast %shift_right_logical3A_269 : i32 to vector<16xi32>
        %shift_right_logical3A_271 = arith.shrui %get3A_268, %shift_right_logical3A_270 : vector<16xi32>
        %max3A_272 = arith.constant 7168 : i32
        %max3A_273 = vector.broadcast %max3A_272 : i32 to vector<16xi32>
        %max3A_274 = arith.maxsi %shift_right_logical3A_271, %max3A_273 : vector<16xi32>
        %add3A_275 = arith.addi %sub3A_21, %max3A_274 : vector<16xi32>
        tpu.vector_store_idx %arg6[%add3A_275], %broadcast_in_dim3A_14 {add = true} : memref<16384xi32, #tpu.memory_space<vmem>>[vector<16xi32>], vector<16xi32>,
      }
      %scan3A_40 = arith.constant 128 : i32
      %scan3A_41 = arith.constant 0 : i32
      %scan3A_42 = arith.constant 0 : i32
      %scan3A_43 = arith.constant 64 : i32
      %scan3A_44 = arith.addi %scan3A_42, %scan3A_43 : i32
      %scan3A_45 = arith.constant 1 : i32
      scf.for %scan3A_157 = %scan3A_42 to %scan3A_44 step %scan3A_45  : i32 {
        %mul3A_158 = arith.constant 16 : i32
        %mul3A_159 = arith.muli %scan3A_157, %mul3A_158 : i32
        %get3A_160 = arith.index_cast %mul3A_159 : i32 to index
        %get3A_161 = tpu.vector_load %arg6[%get3A_160] {strides = array<i32>} : memref<16384xi32, #tpu.memory_space<vmem>>, vector<16xi32>,
        %mul3A_162 = arith.constant 16 : i32
        %mul3A_163 = arith.muli %scan3A_157, %mul3A_162 : i32
        %add3A_164 = arith.constant 1024 : i32
        %add3A_165 = arith.addi %add3A_164, %mul3A_163 : i32
        %get3A_166 = arith.index_cast %add3A_165 : i32 to index
        %get3A_167 = tpu.vector_load %arg6[%get3A_166] {strides = array<i32>} : memref<16384xi32, #tpu.memory_space<vmem>>, vector<16xi32>,
        %add3A_168 = arith.addi %get3A_161, %get3A_167 : vector<16xi32>
        %mul3A_169 = arith.constant 16 : i32
        %mul3A_170 = arith.muli %scan3A_157, %mul3A_169 : i32
        %add3A_171 = arith.constant 2048 : i32
        %add3A_172 = arith.addi %add3A_171, %mul3A_170 : i32
        %get3A_173 = arith.index_cast %add3A_172 : i32 to index
        %get3A_174 = tpu.vector_load %arg6[%get3A_173] {strides = array<i32>} : memref<16384xi32, #tpu.memory_space<vmem>>, vector<16xi32>,
        %add3A_175 = arith.addi %add3A_168, %get3A_174 : vector<16xi32>
        %mul3A_176 = arith.constant 16 : i32
        %mul3A_177 = arith.muli %scan3A_157, %mul3A_176 : i32
        %add3A_178 = arith.constant 3072 : i32
        %add3A_179 = arith.addi %add3A_178, %mul3A_177 : i32
        %get3A_180 = arith.index_cast %add3A_179 : i32 to index
        %get3A_181 = tpu.vector_load %arg6[%get3A_180] {strides = array<i32>} : memref<16384xi32, #tpu.memory_space<vmem>>, vector<16xi32>,
        %add3A_182 = arith.addi %add3A_175, %get3A_181 : vector<16xi32>
        %mul3A_183 = arith.constant 16 : i32
        %mul3A_184 = arith.muli %scan3A_157, %mul3A_183 : i32
        %add3A_185 = arith.constant 4096 : i32
        %add3A_186 = arith.addi %add3A_185, %mul3A_184 : i32
        %get3A_187 = arith.index_cast %add3A_186 : i32 to index
        %get3A_188 = tpu.vector_load %arg6[%get3A_187] {strides = array<i32>} : memref<16384xi32, #tpu.memory_space<vmem>>, vector<16xi32>,
        %add3A_189 = arith.addi %add3A_182, %get3A_188 : vector<16xi32>
        %mul3A_190 = arith.constant 16 : i32
        %mul3A_191 = arith.muli %scan3A_157, %mul3A_190 : i32
        %add3A_192 = arith.constant 5120 : i32
        %add3A_193 = arith.addi %add3A_192, %mul3A_191 : i32
        %get3A_194 = arith.index_cast %add3A_193 : i32 to index
        %get3A_195 = tpu.vector_load %arg6[%get3A_194] {strides = array<i32>} : memref<16384xi32, #tpu.memory_space<vmem>>, vector<16xi32>,
        %add3A_196 = arith.addi %add3A_189, %get3A_195 : vector<16xi32>
        %mul3A_197 = arith.constant 16 : i32
        %mul3A_198 = arith.muli %scan3A_157, %mul3A_197 : i32
        %add3A_199 = arith.constant 6144 : i32
        %add3A_200 = arith.addi %add3A_199, %mul3A_198 : i32
        %get3A_201 = arith.index_cast %add3A_200 : i32 to index
        %get3A_202 = tpu.vector_load %arg6[%get3A_201] {strides = array<i32>} : memref<16384xi32, #tpu.memory_space<vmem>>, vector<16xi32>,
        %add3A_203 = arith.addi %add3A_196, %get3A_202 : vector<16xi32>
        %mul3A_204 = arith.constant 16 : i32
        %mul3A_205 = arith.muli %scan3A_157, %mul3A_204 : i32
        %add3A_206 = arith.constant 7168 : i32
        %add3A_207 = arith.addi %add3A_206, %mul3A_205 : i32
        %get3A_208 = arith.index_cast %add3A_207 : i32 to index
        %get3A_209 = tpu.vector_load %arg6[%get3A_208] {strides = array<i32>} : memref<16384xi32, #tpu.memory_space<vmem>>, vector<16xi32>,
        %add3A_210 = arith.addi %add3A_203, %get3A_209 : vector<16xi32>
        %mul3A_211 = arith.constant 16 : i32
        %mul3A_212 = arith.muli %scan3A_157, %mul3A_211 : i32
        %add3A_213 = arith.constant 8192 : i32
        %add3A_214 = arith.addi %add3A_213, %mul3A_212 : i32
        %get3A_215 = arith.index_cast %add3A_214 : i32 to index
        %get3A_216 = tpu.vector_load %arg6[%get3A_215] {strides = array<i32>} : memref<16384xi32, #tpu.memory_space<vmem>>, vector<16xi32>,
        %add3A_217 = arith.addi %add3A_210, %get3A_216 : vector<16xi32>
        %mul3A_218 = arith.constant 16 : i32
        %mul3A_219 = arith.muli %scan3A_157, %mul3A_218 : i32
        %add3A_220 = arith.constant 9216 : i32
        %add3A_221 = arith.addi %add3A_220, %mul3A_219 : i32
        %get3A_222 = arith.index_cast %add3A_221 : i32 to index
        %get3A_223 = tpu.vector_load %arg6[%get3A_222] {strides = array<i32>} : memref<16384xi32, #tpu.memory_space<vmem>>, vector<16xi32>,
        %add3A_224 = arith.addi %add3A_217, %get3A_223 : vector<16xi32>
        %mul3A_225 = arith.constant 16 : i32
        %mul3A_226 = arith.muli %scan3A_157, %mul3A_225 : i32
        %add3A_227 = arith.constant 10240 : i32
        %add3A_228 = arith.addi %add3A_227, %mul3A_226 : i32
        %get3A_229 = arith.index_cast %add3A_228 : i32 to index
        %get3A_230 = tpu.vector_load %arg6[%get3A_229] {strides = array<i32>} : memref<16384xi32, #tpu.memory_space<vmem>>, vector<16xi32>,
        %add3A_231 = arith.addi %add3A_224, %get3A_230 : vector<16xi32>
        %mul3A_232 = arith.constant 16 : i32
        %mul3A_233 = arith.muli %scan3A_157, %mul3A_232 : i32
        %add3A_234 = arith.constant 11264 : i32
        %add3A_235 = arith.addi %add3A_234, %mul3A_233 : i32
        %get3A_236 = arith.index_cast %add3A_235 : i32 to index
        %get3A_237 = tpu.vector_load %arg6[%get3A_236] {strides = array<i32>} : memref<16384xi32, #tpu.memory_space<vmem>>, vector<16xi32>,
        %add3A_238 = arith.addi %add3A_231, %get3A_237 : vector<16xi32>
        %mul3A_239 = arith.constant 16 : i32
        %mul3A_240 = arith.muli %scan3A_157, %mul3A_239 : i32
        %add3A_241 = arith.constant 12288 : i32
        %add3A_242 = arith.addi %add3A_241, %mul3A_240 : i32
        %get3A_243 = arith.index_cast %add3A_242 : i32 to index
        %get3A_244 = tpu.vector_load %arg6[%get3A_243] {strides = array<i32>} : memref<16384xi32, #tpu.memory_space<vmem>>, vector<16xi32>,
        %add3A_245 = arith.addi %add3A_238, %get3A_244 : vector<16xi32>
        %mul3A_246 = arith.constant 16 : i32
        %mul3A_247 = arith.muli %scan3A_157, %mul3A_246 : i32
        %add3A_248 = arith.constant 13312 : i32
        %add3A_249 = arith.addi %add3A_248, %mul3A_247 : i32
        %get3A_250 = arith.index_cast %add3A_249 : i32 to index
        %get3A_251 = tpu.vector_load %arg6[%get3A_250] {strides = array<i32>} : memref<16384xi32, #tpu.memory_space<vmem>>, vector<16xi32>,
        %add3A_252 = arith.addi %add3A_245, %get3A_251 : vector<16xi32>
        %mul3A_253 = arith.constant 16 : i32
        %mul3A_254 = arith.muli %scan3A_157, %mul3A_253 : i32
        %add3A_255 = arith.constant 14336 : i32
        %add3A_256 = arith.addi %add3A_255, %mul3A_254 : i32
        %get3A_257 = arith.index_cast %add3A_256 : i32 to index
        %get3A_258 = tpu.vector_load %arg6[%get3A_257] {strides = array<i32>} : memref<16384xi32, #tpu.memory_space<vmem>>, vector<16xi32>,
        %add3A_259 = arith.addi %add3A_252, %get3A_258 : vector<16xi32>
        %mul3A_260 = arith.constant 16 : i32
        %mul3A_261 = arith.muli %scan3A_157, %mul3A_260 : i32
        %add3A_262 = arith.constant 15360 : i32
        %add3A_263 = arith.addi %add3A_262, %mul3A_261 : i32
        %get3A_264 = arith.index_cast %add3A_263 : i32 to index
        %get3A_265 = tpu.vector_load %arg6[%get3A_264] {strides = array<i32>} : memref<16384xi32, #tpu.memory_space<vmem>>, vector<16xi32>,
        %add3A_266 = arith.addi %add3A_259, %get3A_265 : vector<16xi32>
        %mul3A_267 = arith.constant 16 : i32
        %mul3A_268 = arith.muli %scan3A_157, %mul3A_267 : i32
        %swap3A_269 = arith.index_cast %mul3A_268 : i32 to index
        %swap3A_270 = tpu.vector_load %arg7[%swap3A_269] {strides = array<i32>} : memref<1024xi32, #tpu.memory_space<vmem>>, vector<16xi32>,
        tpu.vector_store %arg7[%swap3A_269], %add3A_266 {strides = array<i32>} : memref<1024xi32, #tpu.memory_space<vmem>>, vector<16xi32>,
      }
      %scan3A_46 = arith.constant 64 : i32
      %scan3A_47 = arith.constant 0 : i32
      %scan3A_48 = arith.constant 0 : i32
      %scan3A_49 = arith.constant 0 : i32
      %scan3A_50 = arith.constant 0 : i32
      %scan3A_51 = arith.constant 64 : i32
      %scan3A_52 = arith.addi %scan3A_50, %scan3A_51 : i32
      %scan3A_53 = arith.constant 1 : i32
      %scan3A_54:3 = scf.for %scan3A_157 = %scan3A_50 to %scan3A_52 step %scan3A_53 iter_args(%scan3A_158 = %scan3A_47, %scan3A_159 = %scan3A_48, %scan3A_160 = %scan3A_49) -> (i32, i32, i32)  : i32 {
        %sub3A_161 = arith.constant 63 : i32
        %sub3A_162 = arith.subi %sub3A_161, %scan3A_157 : i32
        %mul3A_163 = arith.constant 16 : i32
        %mul3A_164 = arith.muli %sub3A_162, %mul3A_163 : i32
        %get3A_165 = arith.index_cast %mul3A_164 : i32 to index
        %get3A_166 = tpu.vector_load %arg7[%get3A_165] {strides = array<i32>} : memref<1024xi32, #tpu.memory_space<vmem>>, vector<16xi32>,
        %reduce_sum3A_167 = arith.constant true
        %reduce_sum3A_168 = vector.broadcast %reduce_sum3A_167 : i1 to vector<16xi1>
        %reduce_sum3A_169 = tpu.scan <sum>, %get3A_166 masked %reduce_sum3A_168 : vector<16xi32>, vector<16xi1> -> vector<16xi32>
        %reduce_sum3A_170 = vector.extract %reduce_sum3A_169[15] : i32 from vector<16xi32>
        %lt3A_171 = arith.cmpi slt, %scan3A_158, %select_n3A : i32
        %add3A_172 = arith.addi %scan3A_158, %reduce_sum3A_170 : i32
        %ge3A_173 = arith.cmpi sge, %add3A_172, %select_n3A : i32
        %and3A_174 = arith.andi %lt3A_171, %ge3A_173 : i1
        %select_n3A_175 = arith.select %and3A_174, %sub3A_162, %scan3A_159 : i32
        %select_n3A_176 = arith.select %and3A_174, %scan3A_158, %scan3A_160 : i32
        %add3A_177 = arith.addi %scan3A_158, %reduce_sum3A_170 : i32
        scf.yield %add3A_177, %select_n3A_175, %select_n3A_176 : i32, i32, i32
      }
      %scan3A_55 = arith.constant 64 : i32
      %mul3A_56 = arith.constant 16 : i32
      %mul3A_57 = arith.muli %scan3A_54#1, %mul3A_56 : i32
      %get3A = arith.index_cast %mul3A_57 : i32 to index
      %get3A_58 = tpu.vector_load %arg7[%get3A] {strides = array<i32>} : memref<1024xi32, #tpu.memory_space<vmem>>, vector<16xi32>,
      %rev3A = arith.constant 15 : i32
      %rev3A_59 = vector.broadcast %rev3A : i32 to vector<16xi32>
      %rev3A_60 = tpu.iota {dimensions = array<i32: 0>} : vector<16xi32>
      %rev3A_61 = arith.subi %rev3A_59, %rev3A_60 : vector<16xi32>
      %rev3A_62 = tpu.dynamic_gather %get3A_58[%rev3A_61] in [0] : vector<16xi32>, vector<16xi32> -> vector<16xi32>
      %broadcast_in_dim3A_63 = arith.constant true
      %broadcast_in_dim3A_64 = vector.broadcast %broadcast_in_dim3A_63 : i1 to vector<16xi1>
      %masked_cumsum3A = tpu.scan <sum>, %rev3A_62 masked %broadcast_in_dim3A_64 : vector<16xi32>, vector<16xi1> -> vector<16xi32>
      %add3A_65 = vector.broadcast %scan3A_54#2 : i32 to vector<16xi32>
      %add3A_66 = arith.addi %masked_cumsum3A, %add3A_65 : vector<16xi32>
      %ge3A_67 = vector.broadcast %select_n3A : i32 to vector<16xi32>
      %ge3A_68 = arith.cmpi sge, %add3A_66, %ge3A_67 : vector<16xi32>
      %convert_element_type3A_69 = arith.extui %ge3A_68 : vector<16xi1> to vector<16xi32>
      %reduce_sum3A = arith.constant true
      %reduce_sum3A_70 = vector.broadcast %reduce_sum3A : i1 to vector<16xi1>
      %reduce_sum3A_71 = tpu.scan <sum>, %convert_element_type3A_69 masked %reduce_sum3A_70 : vector<16xi32>, vector<16xi1> -> vector<16xi32>
      %reduce_sum3A_72 = vector.extract %reduce_sum3A_71[15] : i32 from vector<16xi32>
      %sub3A_73 = arith.constant 16 : i32
      %sub3A_74 = arith.subi %sub3A_73, %reduce_sum3A_72 : i32
      %eq3A = vector.broadcast %sub3A_74 : i32 to vector<16xi32>
      %eq3A_75 = arith.cmpi eq, %iota3A, %eq3A : vector<16xi32>
      %jit3A_76 = arith.constant 0 : i32
      %broadcast_in_dim3A_77 = vector.broadcast %jit3A_76 : i32 to vector<16xi32>
      %select_n3A_78 = arith.select %eq3A_75, %masked_cumsum3A, %broadcast_in_dim3A_77 : vector<16xi1>, vector<16xi32>
      %reduce_sum3A_79 = arith.constant true
      %reduce_sum3A_80 = vector.broadcast %reduce_sum3A_79 : i1 to vector<16xi1>
      %reduce_sum3A_81 = tpu.scan <sum>, %select_n3A_78 masked %reduce_sum3A_80 : vector<16xi32>, vector<16xi1> -> vector<16xi32>
      %reduce_sum3A_82 = vector.extract %reduce_sum3A_81[15] : i32 from vector<16xi32>
      %jit3A_83 = arith.constant 0 : i32
      %broadcast_in_dim3A_84 = vector.broadcast %jit3A_83 : i32 to vector<16xi32>
      %select_n3A_85 = arith.select %eq3A_75, %rev3A_62, %broadcast_in_dim3A_84 : vector<16xi1>, vector<16xi32>
      %reduce_sum3A_86 = arith.constant true
      %reduce_sum3A_87 = vector.broadcast %reduce_sum3A_86 : i1 to vector<16xi1>
      %reduce_sum3A_88 = tpu.scan <sum>, %select_n3A_85 masked %reduce_sum3A_87 : vector<16xi32>, vector<16xi1> -> vector<16xi32>
      %reduce_sum3A_89 = vector.extract %reduce_sum3A_88[15] : i32 from vector<16xi32>
      %mul3A_90 = arith.constant 16 : i32
      %mul3A_91 = arith.muli %scan3A_54#1, %mul3A_90 : i32
      %add3A_92 = arith.constant 15 : i32
      %add3A_93 = arith.addi %mul3A_91, %add3A_92 : i32
      %sub3A_94 = arith.subi %add3A_93, %sub3A_74 : i32
      %sub3A_95 = arith.subi %select_n3A, %scan3A_54#2 : i32
      %sub3A_96 = arith.subi %sub3A_95, %reduce_sum3A_82 : i32
      %add3A_97 = arith.addi %sub3A_96, %reduce_sum3A_89 : i32
      %add3A_98 = arith.constant 7168 : i32
      %add3A_99 = arith.addi %sub3A_94, %add3A_98 : i32
      %broadcast_in_dim3A_100 = arith.constant 0 : i32
      %broadcast_in_dim3A_101 = vector.broadcast %broadcast_in_dim3A_100 : i32 to vector<16xi32>
      %scan3A_102 = arith.constant 0 : i32
      %scan3A_103 = arith.constant 128 : i32
      %scan3A_104 = arith.addi %scan3A_102, %scan3A_103 : i32
      %scan3A_105 = arith.constant 1 : i32
      %scan3A_106 = scf.for %scan3A_157 = %scan3A_102 to %scan3A_104 step %scan3A_105 iter_args(%scan3A_158 = %broadcast_in_dim3A_101) -> (vector<16xi32>)  : i32 {
        %mul3A_159 = arith.constant 8 : i32
        %mul3A_160 = arith.muli %scan3A_157, %mul3A_159 : i32
        %add3A_161 = arith.constant 0 : i32
        %add3A_162 = arith.addi %mul3A_160, %add3A_161 : i32
        %mul3A_163 = arith.constant 16 : i32
        %mul3A_164 = arith.muli %add3A_162, %mul3A_163 : i32
        %get3A_165 = arith.index_cast %mul3A_164 : i32 to index
        %get3A_166 = tpu.vector_load %arg5[%get3A_165] {strides = array<i32>} : memref<16384xi32, #tpu.memory_space<vmem>>, vector<16xi32>,
        %shift_right_logical3A = arith.constant 17 : i32
        %shift_right_logical3A_167 = vector.broadcast %shift_right_logical3A : i32 to vector<16xi32>
        %shift_right_logical3A_168 = arith.shrui %get3A_166, %shift_right_logical3A_167 : vector<16xi32>
        %eq3A_169 = vector.broadcast %add3A_99 : i32 to vector<16xi32>
        %eq3A_170 = arith.cmpi eq, %shift_right_logical3A_168, %eq3A_169 : vector<16xi32>
        %mul3A_171 = arith.constant 16 : i32
        %mul3A_172 = vector.broadcast %mul3A_171 : i32 to vector<16xi32>
        %mul3A_173 = arith.muli %scan3A_158, %mul3A_172 : vector<16xi32>
        %add3A_174 = arith.addi %mul3A_173, %iota3A : vector<16xi32>
        tpu.vector_store_idx %arg8[%add3A_174], %get3A_166 masked %eq3A_170 : memref<16384xi32, #tpu.memory_space<vmem>>[vector<16xi32>], vector<16xi32>, vector<16xi1>
        %convert_element_type3A_175 = arith.extui %eq3A_170 : vector<16xi1> to vector<16xi32>
        %add3A_176 = arith.addi %scan3A_158, %convert_element_type3A_175 : vector<16xi32>
        %mul3A_177 = arith.constant 8 : i32
        %mul3A_178 = arith.muli %scan3A_157, %mul3A_177 : i32
        %add3A_179 = arith.constant 1 : i32
        %add3A_180 = arith.addi %mul3A_178, %add3A_179 : i32
        %mul3A_181 = arith.constant 16 : i32
        %mul3A_182 = arith.muli %add3A_180, %mul3A_181 : i32
        %get3A_183 = arith.index_cast %mul3A_182 : i32 to index
        %get3A_184 = tpu.vector_load %arg5[%get3A_183] {strides = array<i32>} : memref<16384xi32, #tpu.memory_space<vmem>>, vector<16xi32>,
        %shift_right_logical3A_185 = arith.constant 17 : i32
        %shift_right_logical3A_186 = vector.broadcast %shift_right_logical3A_185 : i32 to vector<16xi32>
        %shift_right_logical3A_187 = arith.shrui %get3A_184, %shift_right_logical3A_186 : vector<16xi32>
        %eq3A_188 = vector.broadcast %add3A_99 : i32 to vector<16xi32>
        %eq3A_189 = arith.cmpi eq, %shift_right_logical3A_187, %eq3A_188 : vector<16xi32>
        %mul3A_190 = arith.constant 16 : i32
        %mul3A_191 = vector.broadcast %mul3A_190 : i32 to vector<16xi32>
        %mul3A_192 = arith.muli %add3A_176, %mul3A_191 : vector<16xi32>
        %add3A_193 = arith.addi %mul3A_192, %iota3A : vector<16xi32>
        tpu.vector_store_idx %arg8[%add3A_193], %get3A_184 masked %eq3A_189 : memref<16384xi32, #tpu.memory_space<vmem>>[vector<16xi32>], vector<16xi32>, vector<16xi1>
        %convert_element_type3A_194 = arith.extui %eq3A_189 : vector<16xi1> to vector<16xi32>
        %add3A_195 = arith.addi %add3A_176, %convert_element_type3A_194 : vector<16xi32>
        %mul3A_196 = arith.constant 8 : i32
        %mul3A_197 = arith.muli %scan3A_157, %mul3A_196 : i32
        %add3A_198 = arith.constant 2 : i32
        %add3A_199 = arith.addi %mul3A_197, %add3A_198 : i32
        %mul3A_200 = arith.constant 16 : i32
        %mul3A_201 = arith.muli %add3A_199, %mul3A_200 : i32
        %get3A_202 = arith.index_cast %mul3A_201 : i32 to index
        %get3A_203 = tpu.vector_load %arg5[%get3A_202] {strides = array<i32>} : memref<16384xi32, #tpu.memory_space<vmem>>, vector<16xi32>,
        %shift_right_logical3A_204 = arith.constant 17 : i32
        %shift_right_logical3A_205 = vector.broadcast %shift_right_logical3A_204 : i32 to vector<16xi32>
        %shift_right_logical3A_206 = arith.shrui %get3A_203, %shift_right_logical3A_205 : vector<16xi32>
        %eq3A_207 = vector.broadcast %add3A_99 : i32 to vector<16xi32>
        %eq3A_208 = arith.cmpi eq, %shift_right_logical3A_206, %eq3A_207 : vector<16xi32>
        %mul3A_209 = arith.constant 16 : i32
        %mul3A_210 = vector.broadcast %mul3A_209 : i32 to vector<16xi32>
        %mul3A_211 = arith.muli %add3A_195, %mul3A_210 : vector<16xi32>
        %add3A_212 = arith.addi %mul3A_211, %iota3A : vector<16xi32>
        tpu.vector_store_idx %arg8[%add3A_212], %get3A_203 masked %eq3A_208 : memref<16384xi32, #tpu.memory_space<vmem>>[vector<16xi32>], vector<16xi32>, vector<16xi1>
        %convert_element_type3A_213 = arith.extui %eq3A_208 : vector<16xi1> to vector<16xi32>
        %add3A_214 = arith.addi %add3A_195, %convert_element_type3A_213 : vector<16xi32>
        %mul3A_215 = arith.constant 8 : i32
        %mul3A_216 = arith.muli %scan3A_157, %mul3A_215 : i32
        %add3A_217 = arith.constant 3 : i32
        %add3A_218 = arith.addi %mul3A_216, %add3A_217 : i32
        %mul3A_219 = arith.constant 16 : i32
        %mul3A_220 = arith.muli %add3A_218, %mul3A_219 : i32
        %get3A_221 = arith.index_cast %mul3A_220 : i32 to index
        %get3A_222 = tpu.vector_load %arg5[%get3A_221] {strides = array<i32>} : memref<16384xi32, #tpu.memory_space<vmem>>, vector<16xi32>,
        %shift_right_logical3A_223 = arith.constant 17 : i32
        %shift_right_logical3A_224 = vector.broadcast %shift_right_logical3A_223 : i32 to vector<16xi32>
        %shift_right_logical3A_225 = arith.shrui %get3A_222, %shift_right_logical3A_224 : vector<16xi32>
        %eq3A_226 = vector.broadcast %add3A_99 : i32 to vector<16xi32>
        %eq3A_227 = arith.cmpi eq, %shift_right_logical3A_225, %eq3A_226 : vector<16xi32>
        %mul3A_228 = arith.constant 16 : i32
        %mul3A_229 = vector.broadcast %mul3A_228 : i32 to vector<16xi32>
        %mul3A_230 = arith.muli %add3A_214, %mul3A_229 : vector<16xi32>
        %add3A_231 = arith.addi %mul3A_230, %iota3A : vector<16xi32>
        tpu.vector_store_idx %arg8[%add3A_231], %get3A_222 masked %eq3A_227 : memref<16384xi32, #tpu.memory_space<vmem>>[vector<16xi32>], vector<16xi32>, vector<16xi1>
        %convert_element_type3A_232 = arith.extui %eq3A_227 : vector<16xi1> to vector<16xi32>
        %add3A_233 = arith.addi %add3A_214, %convert_element_type3A_232 : vector<16xi32>
        %mul3A_234 = arith.constant 8 : i32
        %mul3A_235 = arith.muli %scan3A_157, %mul3A_234 : i32
        %add3A_236 = arith.constant 4 : i32
        %add3A_237 = arith.addi %mul3A_235, %add3A_236 : i32
        %mul3A_238 = arith.constant 16 : i32
        %mul3A_239 = arith.muli %add3A_237, %mul3A_238 : i32
        %get3A_240 = arith.index_cast %mul3A_239 : i32 to index
        %get3A_241 = tpu.vector_load %arg5[%get3A_240] {strides = array<i32>} : memref<16384xi32, #tpu.memory_space<vmem>>, vector<16xi32>,
        %shift_right_logical3A_242 = arith.constant 17 : i32
        %shift_right_logical3A_243 = vector.broadcast %shift_right_logical3A_242 : i32 to vector<16xi32>
        %shift_right_logical3A_244 = arith.shrui %get3A_241, %shift_right_logical3A_243 : vector<16xi32>
        %eq3A_245 = vector.broadcast %add3A_99 : i32 to vector<16xi32>
        %eq3A_246 = arith.cmpi eq, %shift_right_logical3A_244, %eq3A_245 : vector<16xi32>
        %mul3A_247 = arith.constant 16 : i32
        %mul3A_248 = vector.broadcast %mul3A_247 : i32 to vector<16xi32>
        %mul3A_249 = arith.muli %add3A_233, %mul3A_248 : vector<16xi32>
        %add3A_250 = arith.addi %mul3A_249, %iota3A : vector<16xi32>
        tpu.vector_store_idx %arg8[%add3A_250], %get3A_241 masked %eq3A_246 : memref<16384xi32, #tpu.memory_space<vmem>>[vector<16xi32>], vector<16xi32>, vector<16xi1>
        %convert_element_type3A_251 = arith.extui %eq3A_246 : vector<16xi1> to vector<16xi32>
        %add3A_252 = arith.addi %add3A_233, %convert_element_type3A_251 : vector<16xi32>
        %mul3A_253 = arith.constant 8 : i32
        %mul3A_254 = arith.muli %scan3A_157, %mul3A_253 : i32
        %add3A_255 = arith.constant 5 : i32
        %add3A_256 = arith.addi %mul3A_254, %add3A_255 : i32
        %mul3A_257 = arith.constant 16 : i32
        %mul3A_258 = arith.muli %add3A_256, %mul3A_257 : i32
        %get3A_259 = arith.index_cast %mul3A_258 : i32 to index
        %get3A_260 = tpu.vector_load %arg5[%get3A_259] {strides = array<i32>} : memref<16384xi32, #tpu.memory_space<vmem>>, vector<16xi32>,
        %shift_right_logical3A_261 = arith.constant 17 : i32
        %shift_right_logical3A_262 = vector.broadcast %shift_right_logical3A_261 : i32 to vector<16xi32>
        %shift_right_logical3A_263 = arith.shrui %get3A_260, %shift_right_logical3A_262 : vector<16xi32>
        %eq3A_264 = vector.broadcast %add3A_99 : i32 to vector<16xi32>
        %eq3A_265 = arith.cmpi eq, %shift_right_logical3A_263, %eq3A_264 : vector<16xi32>
        %mul3A_266 = arith.constant 16 : i32
        %mul3A_267 = vector.broadcast %mul3A_266 : i32 to vector<16xi32>
        %mul3A_268 = arith.muli %add3A_252, %mul3A_267 : vector<16xi32>
        %add3A_269 = arith.addi %mul3A_268, %iota3A : vector<16xi32>
        tpu.vector_store_idx %arg8[%add3A_269], %get3A_260 masked %eq3A_265 : memref<16384xi32, #tpu.memory_space<vmem>>[vector<16xi32>], vector<16xi32>, vector<16xi1>
        %convert_element_type3A_270 = arith.extui %eq3A_265 : vector<16xi1> to vector<16xi32>
        %add3A_271 = arith.addi %add3A_252, %convert_element_type3A_270 : vector<16xi32>
        %mul3A_272 = arith.constant 8 : i32
        %mul3A_273 = arith.muli %scan3A_157, %mul3A_272 : i32
        %add3A_274 = arith.constant 6 : i32
        %add3A_275 = arith.addi %mul3A_273, %add3A_274 : i32
        %mul3A_276 = arith.constant 16 : i32
        %mul3A_277 = arith.muli %add3A_275, %mul3A_276 : i32
        %get3A_278 = arith.index_cast %mul3A_277 : i32 to index
        %get3A_279 = tpu.vector_load %arg5[%get3A_278] {strides = array<i32>} : memref<16384xi32, #tpu.memory_space<vmem>>, vector<16xi32>,
        %shift_right_logical3A_280 = arith.constant 17 : i32
        %shift_right_logical3A_281 = vector.broadcast %shift_right_logical3A_280 : i32 to vector<16xi32>
        %shift_right_logical3A_282 = arith.shrui %get3A_279, %shift_right_logical3A_281 : vector<16xi32>
        %eq3A_283 = vector.broadcast %add3A_99 : i32 to vector<16xi32>
        %eq3A_284 = arith.cmpi eq, %shift_right_logical3A_282, %eq3A_283 : vector<16xi32>
        %mul3A_285 = arith.constant 16 : i32
        %mul3A_286 = vector.broadcast %mul3A_285 : i32 to vector<16xi32>
        %mul3A_287 = arith.muli %add3A_271, %mul3A_286 : vector<16xi32>
        %add3A_288 = arith.addi %mul3A_287, %iota3A : vector<16xi32>
        tpu.vector_store_idx %arg8[%add3A_288], %get3A_279 masked %eq3A_284 : memref<16384xi32, #tpu.memory_space<vmem>>[vector<16xi32>], vector<16xi32>, vector<16xi1>
        %convert_element_type3A_289 = arith.extui %eq3A_284 : vector<16xi1> to vector<16xi32>
        %add3A_290 = arith.addi %add3A_271, %convert_element_type3A_289 : vector<16xi32>
        %mul3A_291 = arith.constant 8 : i32
        %mul3A_292 = arith.muli %scan3A_157, %mul3A_291 : i32
        %add3A_293 = arith.constant 7 : i32
        %add3A_294 = arith.addi %mul3A_292, %add3A_293 : i32
        %mul3A_295 = arith.constant 16 : i32
        %mul3A_296 = arith.muli %add3A_294, %mul3A_295 : i32
        %get3A_297 = arith.index_cast %mul3A_296 : i32 to index
        %get3A_298 = tpu.vector_load %arg5[%get3A_297] {strides = array<i32>} : memref<16384xi32, #tpu.memory_space<vmem>>, vector<16xi32>,
        %shift_right_logical3A_299 = arith.constant 17 : i32
        %shift_right_logical3A_300 = vector.broadcast %shift_right_logical3A_299 : i32 to vector<16xi32>
        %shift_right_logical3A_301 = arith.shrui %get3A_298, %shift_right_logical3A_300 : vector<16xi32>
        %eq3A_302 = vector.broadcast %add3A_99 : i32 to vector<16xi32>
        %eq3A_303 = arith.cmpi eq, %shift_right_logical3A_301, %eq3A_302 : vector<16xi32>
        %mul3A_304 = arith.constant 16 : i32
        %mul3A_305 = vector.broadcast %mul3A_304 : i32 to vector<16xi32>
        %mul3A_306 = arith.muli %add3A_290, %mul3A_305 : vector<16xi32>
        %add3A_307 = arith.addi %mul3A_306, %iota3A : vector<16xi32>
        tpu.vector_store_idx %arg8[%add3A_307], %get3A_298 masked %eq3A_303 : memref<16384xi32, #tpu.memory_space<vmem>>[vector<16xi32>], vector<16xi32>, vector<16xi1>
        %convert_element_type3A_308 = arith.extui %eq3A_303 : vector<16xi1> to vector<16xi32>
        %add3A_309 = arith.addi %add3A_290, %convert_element_type3A_308 : vector<16xi32>
        scf.yield %add3A_309 : vector<16xi32>
      }
      %scan3A_107 = arith.constant 128 : i32
      %reduce_max3A = arith.constant true
      %reduce_max3A_108 = vector.broadcast %reduce_max3A : i1 to vector<16xi1>
      %reduce_max3A_109 = arith.constant -2147483648 : i32
      %reduce_max3A_110 = vector.broadcast %reduce_max3A_109 : i32 to vector<16xi32>
      %reduce_max3A_111 = arith.xori %scan3A_106, %reduce_max3A_110 : vector<16xi32>
      %reduce_max3A_112 = tpu.scan <max>, %reduce_max3A_111 masked %reduce_max3A_108 : vector<16xi32>, vector<16xi1> -> vector<16xi32>
      %reduce_max3A_113 = arith.xori %reduce_max3A_112, %reduce_max3A_110 : vector<16xi32>
      %reduce_max3A_114 = vector.extract %reduce_max3A_113[15] : i32 from vector<16xi32>
      %shift_left3A = arith.constant 17 : i32
      %shift_left3A_115 = arith.shli %add3A_99, %shift_left3A : i32
      %add3A_116 = arith.constant 131072 : i32
      %add3A_117 = arith.addi %shift_left3A_115, %add3A_116 : i32
      %scan3A_118 = arith.constant 0 : i32
      %scan3A_119 = arith.constant 17 : i32
      %scan3A_120 = arith.addi %scan3A_118, %scan3A_119 : i32
      %scan3A_121 = arith.constant 1 : i32
      %scan3A_122:2 = scf.for %scan3A_157 = %scan3A_118 to %scan3A_120 step %scan3A_121 iter_args(%scan3A_158 = %shift_left3A_115, %scan3A_159 = %add3A_117) -> (i32, i32)  : i32 {
        %add3A_160 = arith.addi %scan3A_158, %scan3A_159 : i32
        %shift_right_arithmetic3A = arith.constant 1 : i32
        %shift_right_arithmetic3A_161 = arith.shrsi %add3A_160, %shift_right_arithmetic3A : i32
        %broadcast_in_dim3A_162 = arith.constant 0 : i32
        %broadcast_in_dim3A_163 = vector.broadcast %broadcast_in_dim3A_162 : i32 to vector<16xi32>
        %while3A_164 = arith.constant 0 : i32
        %while3A_165 = arith.subi %reduce_max3A_114, %while3A_164 : i32
        %while3A_166 = arith.addi %while3A_164, %while3A_165 : i32
        %while3A_167 = arith.constant 1 : i32
        %while3A_168 = arith.divsi %while3A_165, %while3A_167 : i32
        %while3A_169 = arith.muli %while3A_168, %while3A_167 : i32
        %while3A_170 = arith.addi %while3A_164, %while3A_169 : i32
        %while3A_171 = arith.constant 1 : i32
        %while3A_172 = scf.for %while3A_182 = %while3A_164 to %while3A_170 step %while3A_171 iter_args(%while3A_183 = %broadcast_in_dim3A_163) -> (vector<16xi32>)  : i32 {
          %mul3A_184 = arith.constant 16 : i32
          %mul3A_185 = arith.muli %while3A_182, %mul3A_184 : i32
          %get3A_186 = arith.index_cast %mul3A_185 : i32 to index
          %get3A_187 = tpu.vector_load %arg8[%get3A_186] {strides = array<i32>} : memref<16384xi32, #tpu.memory_space<vmem>>, vector<16xi32>,
          %gt3A = vector.broadcast %while3A_182 : i32 to vector<16xi32>
          %gt3A_188 = arith.cmpi sgt, %scan3A_106, %gt3A : vector<16xi32>
          %ge3A_189 = vector.broadcast %shift_right_arithmetic3A_161 : i32 to vector<16xi32>
          %ge3A_190 = arith.cmpi sge, %get3A_187, %ge3A_189 : vector<16xi32>
          %and3A_191 = arith.andi %gt3A_188, %ge3A_190 : vector<16xi1>
          %jit3A_192 = arith.constant 1 : i32
          %jit3A_193 = arith.constant 0 : i32
          %broadcast_in_dim3A_194 = vector.broadcast %jit3A_192 : i32 to vector<16xi32>
          %broadcast_in_dim3A_195 = vector.broadcast %jit3A_193 : i32 to vector<16xi32>
          %select_n3A_196 = arith.select %and3A_191, %broadcast_in_dim3A_194, %broadcast_in_dim3A_195 : vector<16xi1>, vector<16xi32>
          %add3A_197 = arith.addi %while3A_183, %select_n3A_196 : vector<16xi32>
          scf.yield %add3A_197 : vector<16xi32>
        }
        %while3A_173 = arith.constant 1 : i32
        %while3A_174 = scf.for %while3A_182 = %while3A_170 to %while3A_166 step %while3A_173 iter_args(%while3A_183 = %while3A_172) -> (vector<16xi32>)  : i32 {
          %mul3A_184 = arith.constant 16 : i32
          %mul3A_185 = arith.muli %while3A_182, %mul3A_184 : i32
          %get3A_186 = arith.index_cast %mul3A_185 : i32 to index
          %get3A_187 = tpu.vector_load %arg8[%get3A_186] {strides = array<i32>} : memref<16384xi32, #tpu.memory_space<vmem>>, vector<16xi32>,
          %gt3A = vector.broadcast %while3A_182 : i32 to vector<16xi32>
          %gt3A_188 = arith.cmpi sgt, %scan3A_106, %gt3A : vector<16xi32>
          %ge3A_189 = vector.broadcast %shift_right_arithmetic3A_161 : i32 to vector<16xi32>
          %ge3A_190 = arith.cmpi sge, %get3A_187, %ge3A_189 : vector<16xi32>
          %and3A_191 = arith.andi %gt3A_188, %ge3A_190 : vector<16xi1>
          %jit3A_192 = arith.constant 1 : i32
          %jit3A_193 = arith.constant 0 : i32
          %broadcast_in_dim3A_194 = vector.broadcast %jit3A_192 : i32 to vector<16xi32>
          %broadcast_in_dim3A_195 = vector.broadcast %jit3A_193 : i32 to vector<16xi32>
          %select_n3A_196 = arith.select %and3A_191, %broadcast_in_dim3A_194, %broadcast_in_dim3A_195 : vector<16xi1>, vector<16xi32>
          %add3A_197 = arith.addi %while3A_183, %select_n3A_196 : vector<16xi32>
          scf.yield %add3A_197 : vector<16xi32>
        }
        %reduce_sum3A_175 = arith.constant true
        %reduce_sum3A_176 = vector.broadcast %reduce_sum3A_175 : i1 to vector<16xi1>
        %reduce_sum3A_177 = tpu.scan <sum>, %while3A_174 masked %reduce_sum3A_176 : vector<16xi32>, vector<16xi1> -> vector<16xi32>
        %reduce_sum3A_178 = vector.extract %reduce_sum3A_177[15] : i32 from vector<16xi32>
        %ge3A_179 = arith.cmpi sge, %reduce_sum3A_178, %add3A_97 : i32
        %select_n3A_180 = arith.select %ge3A_179, %shift_right_arithmetic3A_161, %scan3A_158 : i32
        %select_n3A_181 = arith.select %ge3A_179, %scan3A_159, %shift_right_arithmetic3A_161 : i32
        scf.yield %select_n3A_180, %select_n3A_181 : i32, i32
      }
      %scan3A_123 = arith.constant 17 : i32
      %sub3A_124 = arith.subi %select_n3A, %add3A_97 : i32
      %broadcast_in_dim3A_125 = arith.constant 0 : i32
      %broadcast_in_dim3A_126 = vector.broadcast %broadcast_in_dim3A_125 : i32 to vector<16xi32>
      %while3A = arith.constant 0 : i32
      %while3A_127 = arith.subi %reduce_max3A_114, %while3A : i32
      %while3A_128 = arith.addi %while3A, %while3A_127 : i32
      %while3A_129 = arith.constant 1 : i32
      %while3A_130 = arith.divsi %while3A_127, %while3A_129 : i32
      %while3A_131 = arith.muli %while3A_130, %while3A_129 : i32
      %while3A_132 = arith.addi %while3A, %while3A_131 : i32
      %while3A_133 = arith.constant 1 : i32
      %while3A_134 = scf.for %while3A_157 = %while3A to %while3A_132 step %while3A_133 iter_args(%while3A_158 = %broadcast_in_dim3A_126) -> (vector<16xi32>)  : i32 {
        %mul3A_159 = arith.constant 16 : i32
        %mul3A_160 = arith.muli %while3A_157, %mul3A_159 : i32
        %get3A_161 = arith.index_cast %mul3A_160 : i32 to index
        %get3A_162 = tpu.vector_load %arg8[%get3A_161] {strides = array<i32>} : memref<16384xi32, #tpu.memory_space<vmem>>, vector<16xi32>,
        %gt3A = vector.broadcast %while3A_157 : i32 to vector<16xi32>
        %gt3A_163 = arith.cmpi sgt, %scan3A_106, %gt3A : vector<16xi32>
        %ge3A_164 = vector.broadcast %scan3A_122#0 : i32 to vector<16xi32>
        %ge3A_165 = arith.cmpi sge, %get3A_162, %ge3A_164 : vector<16xi32>
        %and3A_166 = arith.andi %gt3A_163, %ge3A_165 : vector<16xi1>
        %jit3A_167 = arith.constant 1 : i32
        %jit3A_168 = arith.constant 0 : i32
        %broadcast_in_dim3A_169 = vector.broadcast %jit3A_167 : i32 to vector<16xi32>
        %broadcast_in_dim3A_170 = vector.broadcast %jit3A_168 : i32 to vector<16xi32>
        %select_n3A_171 = arith.select %and3A_166, %broadcast_in_dim3A_169, %broadcast_in_dim3A_170 : vector<16xi1>, vector<16xi32>
        %add3A_172 = arith.addi %while3A_158, %select_n3A_171 : vector<16xi32>
        scf.yield %add3A_172 : vector<16xi32>
      }
      %while3A_135 = arith.constant 1 : i32
      %while3A_136 = scf.for %while3A_157 = %while3A_132 to %while3A_128 step %while3A_135 iter_args(%while3A_158 = %while3A_134) -> (vector<16xi32>)  : i32 {
        %mul3A_159 = arith.constant 16 : i32
        %mul3A_160 = arith.muli %while3A_157, %mul3A_159 : i32
        %get3A_161 = arith.index_cast %mul3A_160 : i32 to index
        %get3A_162 = tpu.vector_load %arg8[%get3A_161] {strides = array<i32>} : memref<16384xi32, #tpu.memory_space<vmem>>, vector<16xi32>,
        %gt3A = vector.broadcast %while3A_157 : i32 to vector<16xi32>
        %gt3A_163 = arith.cmpi sgt, %scan3A_106, %gt3A : vector<16xi32>
        %ge3A_164 = vector.broadcast %scan3A_122#0 : i32 to vector<16xi32>
        %ge3A_165 = arith.cmpi sge, %get3A_162, %ge3A_164 : vector<16xi32>
        %and3A_166 = arith.andi %gt3A_163, %ge3A_165 : vector<16xi1>
        %jit3A_167 = arith.constant 1 : i32
        %jit3A_168 = arith.constant 0 : i32
        %broadcast_in_dim3A_169 = vector.broadcast %jit3A_167 : i32 to vector<16xi32>
        %broadcast_in_dim3A_170 = vector.broadcast %jit3A_168 : i32 to vector<16xi32>
        %select_n3A_171 = arith.select %and3A_166, %broadcast_in_dim3A_169, %broadcast_in_dim3A_170 : vector<16xi1>, vector<16xi32>
        %add3A_172 = arith.addi %while3A_158, %select_n3A_171 : vector<16xi32>
        scf.yield %add3A_172 : vector<16xi32>
      }
      %reduce_sum3A_137 = arith.constant true
      %reduce_sum3A_138 = vector.broadcast %reduce_sum3A_137 : i1 to vector<16xi1>
      %reduce_sum3A_139 = tpu.scan <sum>, %while3A_136 masked %reduce_sum3A_138 : vector<16xi32>, vector<16xi1> -> vector<16xi32>
      %reduce_sum3A_140 = vector.extract %reduce_sum3A_139[15] : i32 from vector<16xi32>
      %add3A_141 = arith.addi %sub3A_124, %reduce_sum3A_140 : i32
      %eq3A_142 = arith.constant 0 : i32
      %eq3A_143 = vector.broadcast %eq3A_142 : i32 to vector<16xi32>
      %eq3A_144 = arith.cmpi eq, %iota3A, %eq3A_143 : vector<16xi32>
      %eq3A_145 = arith.constant 1 : i32
      %eq3A_146 = vector.broadcast %eq3A_145 : i32 to vector<16xi32>
      %eq3A_147 = arith.cmpi eq, %iota3A, %eq3A_146 : vector<16xi32>
      %jit3A_148 = arith.constant 0 : i32
      %broadcast_in_dim3A_149 = vector.broadcast %add3A_141 : i32 to vector<16xi32>
      %broadcast_in_dim3A_150 = vector.broadcast %jit3A_148 : i32 to vector<16xi32>
      %select_n3A_151 = arith.select %eq3A_147, %broadcast_in_dim3A_149, %broadcast_in_dim3A_150 : vector<16xi1>, vector<16xi32>
      %broadcast_in_dim3A_152 = vector.broadcast %scan3A_122#0 : i32 to vector<16xi32>
      %select_n3A_153 = arith.select %eq3A_144, %broadcast_in_dim3A_152, %select_n3A_151 : vector<16xi1>, vector<16xi32>
      %swap3A = arith.constant 0 : index
      %swap3A_154 = tpu.vector_load %arg7[%swap3A] {strides = array<i32>} : memref<1024xi32, #tpu.memory_space<vmem>>, vector<16xi32>,
      tpu.vector_store %arg7[%swap3A], %select_n3A_153 {strides = array<i32>} : memref<1024xi32, #tpu.memory_space<vmem>>, vector<16xi32>,
      %mul3A_155 = arith.constant 16 : i32
      %mul3A_156 = arith.muli %add3A, %mul3A_155 : i32
      "tpu.region"() ({
        %run_scoped3A = tpu.sem_alloc : memref<!tpu.dma_semaphore, #tpu.memory_space<semaphore_mem>>
        %dma_start3A = arith.constant 0 : i32
        %dma_start3A_157 = tpu.memref_slice %arg7[%dma_start3A] : memref<1024xi32, #tpu.memory_space<vmem>> -> memref<16xi32, #tpu.memory_space<vmem>>
        %dma_start3A_158 = tpu.memref_slice %arg4[%mul3A_156] : memref<256xi32, #tpu.memory_space<hbm>> -> memref<16xi32, #tpu.memory_space<hbm>>
        %dma_start3A_159 = tpu.memref_slice %arg4[%mul3A_156] : memref<256xi32, #tpu.memory_space<hbm>> -> memref<16xi32, #tpu.memory_space<hbm>>
        %dma_start3A_160 = arith.constant 0 : i32
        %dma_start3A_161 = tpu.memref_slice %arg7[%dma_start3A_160] : memref<1024xi32, #tpu.memory_space<vmem>> -> memref<16xi32, #tpu.memory_space<vmem>>
        tpu.enqueue_dma source(%dma_start3A_161 : memref<16xi32, #tpu.memory_space<vmem>>) target(%dma_start3A_159 : memref<16xi32, #tpu.memory_space<hbm>>) target_semaphore(%run_scoped3A : memref<!tpu.dma_semaphore, #tpu.memory_space<semaphore_mem>>)
        %dma_wait3A = arith.constant 0 : i32
        %dma_wait3A_162 = tpu.memref_slice %arg7[%dma_wait3A] : memref<1024xi32, #tpu.memory_space<vmem>> -> memref<16xi32, #tpu.memory_space<vmem>>
        %dma_wait3A_163 = tpu.memref_slice %arg4[%mul3A_156] : memref<256xi32, #tpu.memory_space<hbm>> -> memref<16xi32, #tpu.memory_space<hbm>>
        %dma_wait3A_164 = tpu.memref_slice %arg4[%mul3A_156] : memref<256xi32, #tpu.memory_space<hbm>> -> memref<16xi32, #tpu.memory_space<hbm>>
        %dma_wait3A_165 = arith.constant 0 : i32
        %dma_wait3A_166 = tpu.memref_slice %arg7[%dma_wait3A_165] : memref<1024xi32, #tpu.memory_space<vmem>> -> memref<16xi32, #tpu.memory_space<vmem>>
        tpu.wait_dma2 semaphore(%run_scoped3A : memref<!tpu.dma_semaphore, #tpu.memory_space<semaphore_mem>>) src(%dma_wait3A_166 : memref<16xi32, #tpu.memory_space<vmem>>) dst(%dma_wait3A_164 : memref<16xi32, #tpu.memory_space<hbm>>)
        tpu.yield
      }) : () -> ()
    } else {
    }
    return
  }
}

module attributes {stable_mosaic.version = 14 : i64} {
  func.func @_mul_body(%arg0: i32, %arg1: i32, %arg2: memref<1x1x1xf32, #tpu.memory_space<smem>>, %arg3: memref<1x1x1xf32, #tpu.memory_space<smem>>, %arg4: memref<1x16xi32, #tpu.memory_space<smem>>, %arg5: memref<1x1x128x128xf32, #tpu.memory_space<vmem>>, %arg6: memref<1x1x32x128xf32, #tpu.memory_space<vmem>>, %arg7: memref<1x32x128x128xf32, #tpu.memory_space<vmem>>, %arg8: memref<1x32x128x128xf32, #tpu.memory_space<vmem>>, %arg9: memref<1x64x32x128xf32, #tpu.memory_space<vmem>>, %arg10: memref<1x64x32x128xf32, #tpu.memory_space<vmem>>, %arg11: memref<1x32x128x128xf32, #tpu.memory_space<vmem>>, %arg12: memref<1x32x128x128xf32, #tpu.memory_space<vmem>>, %arg13: memref<1x64x32x128xf32, #tpu.memory_space<vmem>>, %arg14: memref<1x64x32x128xf32, #tpu.memory_space<vmem>>, %arg15: memref<1x2xf32, #tpu.memory_space<vmem>>) attributes {dimension_semantics = [#tpu.dimension_semantics<arbitrary>, #tpu.dimension_semantics<arbitrary>], iteration_bounds = array<i64: 8, 2>, scalar_prefetch = 0 : i64, scratch_operands = 0 : i64, tpu.core_type = #tpu.core_type<tc>, window_params = [{transform_indices = @transform_0, window_bounds = array<i64: 1, 1, 1>}, {transform_indices = @transform_1, window_bounds = array<i64: 1, 1, 1>}, {transform_indices = @transform_2, window_bounds = array<i64: 1, 16>}, {transform_indices = @transform_3, window_bounds = array<i64: 1, 1, 128, 128>}, {transform_indices = @transform_4, window_bounds = array<i64: 1, 1, 32, 128>}, {transform_indices = @transform_5, window_bounds = array<i64: 1, 32, 128, 128>}, {transform_indices = @transform_6, window_bounds = array<i64: 1, 32, 128, 128>}, {transform_indices = @transform_7, window_bounds = array<i64: 1, 64, 32, 128>}, {transform_indices = @transform_8, window_bounds = array<i64: 1, 64, 32, 128>}, {transform_indices = @transform_9, window_bounds = array<i64: 1, 32, 128, 128>}, {transform_indices = @transform_10, window_bounds = array<i64: 1, 32, 128, 128>}, {transform_indices = @transform_11, window_bounds = array<i64: 1, 64, 32, 128>}, {transform_indices = @transform_12, window_bounds = array<i64: 1, 64, 32, 128>}, {pipeline_mode = #tpu.pipeline_mode<synchronous>, transform_indices = @transform_13, window_bounds = array<i64: 1, 2>}]} {
    %get3A = arith.constant 0 : index
    %get3A_0 = arith.constant 0 : index
    %get3A_1 = arith.constant 0 : index
    %get3A_2 = memref.load %arg2[%get3A, %get3A_0, %get3A_1] : memref<1x1x1xf32, #tpu.memory_space<smem>>
    %get3A_3 = arith.constant 0 : index
    %get3A_4 = arith.constant 0 : index
    %get3A_5 = arith.constant 0 : index
    %get3A_6 = arith.constant 0 : index
    %get3A_7 = vector.load %arg5[%get3A_3, %get3A_4, %get3A_5, %get3A_6] : memref<1x1x128x128xf32, #tpu.memory_space<vmem>>, vector<1x1x128x128xf32>
    %ge3A = vector.broadcast %get3A_2 : f32 to vector<1x1x128x128xf32>
    %ge3A_8 = arith.cmpf oge, %get3A_7, %ge3A : vector<1x1x128x128xf32>
    %get3A_9 = arith.constant 0 : index
    %get3A_10 = arith.constant 0 : index
    %get3A_11 = arith.constant 0 : index
    %get3A_12 = arith.constant 0 : index
    %get3A_13 = vector.load %arg7[%get3A_9, %get3A_10, %get3A_11, %get3A_12] : memref<1x32x128x128xf32, #tpu.memory_space<vmem>>, vector<1x32x128x128xf32>
    %jit3A = arith.constant 0.000000e+00 : f32
    %broadcast_in_dim3A = vector.shape_cast %ge3A_8 : vector<1x1x128x128xi1> to vector<1x1x128x128xi1>
    %broadcast_in_dim3A_14 = vector.broadcast %broadcast_in_dim3A : vector<1x1x128x128xi1> to vector<1x32x128x128xi1>
    %broadcast_in_dim3A_15 = vector.broadcast %jit3A : f32 to vector<1x32x128x128xf32>
    %select_n3A = arith.select %broadcast_in_dim3A_14, %get3A_13, %broadcast_in_dim3A_15 : vector<1x32x128x128xi1>, vector<1x32x128x128xf32>
    %swap3A = arith.constant 0 : index
    %swap3A_16 = arith.constant 0 : index
    %swap3A_17 = arith.constant 0 : index
    %swap3A_18 = arith.constant 0 : index
    %swap3A_19 = vector.load %arg11[%swap3A, %swap3A_16, %swap3A_17, %swap3A_18] : memref<1x32x128x128xf32, #tpu.memory_space<vmem>>, vector<1x32x128x128xf32>
    tpu.vector_store %arg11[%swap3A, %swap3A_16, %swap3A_17, %swap3A_18], %select_n3A {strides = array<i32>} : memref<1x32x128x128xf32, #tpu.memory_space<vmem>>, vector<1x32x128x128xf32>,
    %get3A_20 = arith.constant 0 : index
    %get3A_21 = arith.constant 0 : index
    %get3A_22 = arith.constant 0 : index
    %get3A_23 = arith.constant 0 : index
    %get3A_24 = vector.load %arg8[%get3A_20, %get3A_21, %get3A_22, %get3A_23] : memref<1x32x128x128xf32, #tpu.memory_space<vmem>>, vector<1x32x128x128xf32>
    %jit3A_25 = arith.constant 0.000000e+00 : f32
    %broadcast_in_dim3A_26 = vector.shape_cast %ge3A_8 : vector<1x1x128x128xi1> to vector<1x1x128x128xi1>
    %broadcast_in_dim3A_27 = vector.broadcast %broadcast_in_dim3A_26 : vector<1x1x128x128xi1> to vector<1x32x128x128xi1>
    %broadcast_in_dim3A_28 = vector.broadcast %jit3A_25 : f32 to vector<1x32x128x128xf32>
    %select_n3A_29 = arith.select %broadcast_in_dim3A_27, %get3A_24, %broadcast_in_dim3A_28 : vector<1x32x128x128xi1>, vector<1x32x128x128xf32>
    %swap3A_30 = arith.constant 0 : index
    %swap3A_31 = arith.constant 0 : index
    %swap3A_32 = arith.constant 0 : index
    %swap3A_33 = arith.constant 0 : index
    %swap3A_34 = vector.load %arg12[%swap3A_30, %swap3A_31, %swap3A_32, %swap3A_33] : memref<1x32x128x128xf32, #tpu.memory_space<vmem>>, vector<1x32x128x128xf32>
    tpu.vector_store %arg12[%swap3A_30, %swap3A_31, %swap3A_32, %swap3A_33], %select_n3A_29 {strides = array<i32>} : memref<1x32x128x128xf32, #tpu.memory_space<vmem>>, vector<1x32x128x128xf32>,
    %get3A_35 = arith.constant 0 : index
    %get3A_36 = arith.constant 0 : index
    %get3A_37 = arith.constant 0 : index
    %get3A_38 = memref.load %arg3[%get3A_35, %get3A_36, %get3A_37] : memref<1x1x1xf32, #tpu.memory_space<smem>>
    %get3A_39 = arith.constant 0 : index
    %get3A_40 = arith.constant 0 : index
    %get3A_41 = arith.constant 0 : index
    %get3A_42 = arith.constant 0 : index
    %get3A_43 = vector.load %arg6[%get3A_39, %get3A_40, %get3A_41, %get3A_42] : memref<1x1x32x128xf32, #tpu.memory_space<vmem>>, vector<1x1x32x128xf32>
    %ge3A_44 = vector.broadcast %get3A_38 : f32 to vector<1x1x32x128xf32>
    %ge3A_45 = arith.cmpf oge, %get3A_43, %ge3A_44 : vector<1x1x32x128xf32>
    %get3A_46 = arith.constant 0 : index
    %get3A_47 = arith.constant 0 : index
    %get3A_48 = arith.constant 0 : index
    %get3A_49 = arith.constant 0 : index
    %get3A_50 = vector.load %arg9[%get3A_46, %get3A_47, %get3A_48, %get3A_49] : memref<1x64x32x128xf32, #tpu.memory_space<vmem>>, vector<1x64x32x128xf32>
    %jit3A_51 = arith.constant 0.000000e+00 : f32
    %broadcast_in_dim3A_52 = vector.shape_cast %ge3A_45 : vector<1x1x32x128xi1> to vector<1x1x32x128xi1>
    %broadcast_in_dim3A_53 = vector.broadcast %broadcast_in_dim3A_52 : vector<1x1x32x128xi1> to vector<1x64x32x128xi1>
    %broadcast_in_dim3A_54 = vector.broadcast %jit3A_51 : f32 to vector<1x64x32x128xf32>
    %select_n3A_55 = arith.select %broadcast_in_dim3A_53, %get3A_50, %broadcast_in_dim3A_54 : vector<1x64x32x128xi1>, vector<1x64x32x128xf32>
    %swap3A_56 = arith.constant 0 : index
    %swap3A_57 = arith.constant 0 : index
    %swap3A_58 = arith.constant 0 : index
    %swap3A_59 = arith.constant 0 : index
    %swap3A_60 = vector.load %arg13[%swap3A_56, %swap3A_57, %swap3A_58, %swap3A_59] : memref<1x64x32x128xf32, #tpu.memory_space<vmem>>, vector<1x64x32x128xf32>
    tpu.vector_store %arg13[%swap3A_56, %swap3A_57, %swap3A_58, %swap3A_59], %select_n3A_55 {strides = array<i32>} : memref<1x64x32x128xf32, #tpu.memory_space<vmem>>, vector<1x64x32x128xf32>,
    %get3A_61 = arith.constant 0 : index
    %get3A_62 = arith.constant 0 : index
    %get3A_63 = arith.constant 0 : index
    %get3A_64 = arith.constant 0 : index
    %get3A_65 = vector.load %arg10[%get3A_61, %get3A_62, %get3A_63, %get3A_64] : memref<1x64x32x128xf32, #tpu.memory_space<vmem>>, vector<1x64x32x128xf32>
    %jit3A_66 = arith.constant 0.000000e+00 : f32
    %broadcast_in_dim3A_67 = vector.shape_cast %ge3A_45 : vector<1x1x32x128xi1> to vector<1x1x32x128xi1>
    %broadcast_in_dim3A_68 = vector.broadcast %broadcast_in_dim3A_67 : vector<1x1x32x128xi1> to vector<1x64x32x128xi1>
    %broadcast_in_dim3A_69 = vector.broadcast %jit3A_66 : f32 to vector<1x64x32x128xf32>
    %select_n3A_70 = arith.select %broadcast_in_dim3A_68, %get3A_65, %broadcast_in_dim3A_69 : vector<1x64x32x128xi1>, vector<1x64x32x128xf32>
    %swap3A_71 = arith.constant 0 : index
    %swap3A_72 = arith.constant 0 : index
    %swap3A_73 = arith.constant 0 : index
    %swap3A_74 = arith.constant 0 : index
    %swap3A_75 = vector.load %arg14[%swap3A_71, %swap3A_72, %swap3A_73, %swap3A_74] : memref<1x64x32x128xf32, #tpu.memory_space<vmem>>, vector<1x64x32x128xf32>
    tpu.vector_store %arg14[%swap3A_71, %swap3A_72, %swap3A_73, %swap3A_74], %select_n3A_70 {strides = array<i32>} : memref<1x64x32x128xf32, #tpu.memory_space<vmem>>, vector<1x64x32x128xf32>,
    %get3A_76 = arith.constant 0 : index
    %get3A_77 = arith.constant 0 : index
    %get3A_78 = memref.load %arg4[%get3A_76, %get3A_77] : memref<1x16xi32, #tpu.memory_space<smem>>
    %get3A_79 = arith.constant 0 : index
    %get3A_80 = arith.constant 8 : index
    %get3A_81 = memref.load %arg4[%get3A_79, %get3A_80] : memref<1x16xi32, #tpu.memory_space<smem>>
    %get3A_82 = arith.constant 0 : index
    %get3A_83 = arith.constant 1 : index
    %get3A_84 = memref.load %arg4[%get3A_82, %get3A_83] : memref<1x16xi32, #tpu.memory_space<smem>>
    %add3A = arith.addi %get3A_78, %get3A_84 : i32
    %get3A_85 = arith.constant 0 : index
    %get3A_86 = arith.constant 9 : index
    %get3A_87 = memref.load %arg4[%get3A_85, %get3A_86] : memref<1x16xi32, #tpu.memory_space<smem>>
    %add3A_88 = arith.addi %get3A_81, %get3A_87 : i32
    %get3A_89 = arith.constant 0 : index
    %get3A_90 = arith.constant 2 : index
    %get3A_91 = memref.load %arg4[%get3A_89, %get3A_90] : memref<1x16xi32, #tpu.memory_space<smem>>
    %add3A_92 = arith.addi %add3A, %get3A_91 : i32
    %get3A_93 = arith.constant 0 : index
    %get3A_94 = arith.constant 10 : index
    %get3A_95 = memref.load %arg4[%get3A_93, %get3A_94] : memref<1x16xi32, #tpu.memory_space<smem>>
    %add3A_96 = arith.addi %add3A_88, %get3A_95 : i32
    %get3A_97 = arith.constant 0 : index
    %get3A_98 = arith.constant 3 : index
    %get3A_99 = memref.load %arg4[%get3A_97, %get3A_98] : memref<1x16xi32, #tpu.memory_space<smem>>
    %add3A_100 = arith.addi %add3A_92, %get3A_99 : i32
    %get3A_101 = arith.constant 0 : index
    %get3A_102 = arith.constant 11 : index
    %get3A_103 = memref.load %arg4[%get3A_101, %get3A_102] : memref<1x16xi32, #tpu.memory_space<smem>>
    %add3A_104 = arith.addi %add3A_96, %get3A_103 : i32
    %get3A_105 = arith.constant 0 : index
    %get3A_106 = arith.constant 4 : index
    %get3A_107 = memref.load %arg4[%get3A_105, %get3A_106] : memref<1x16xi32, #tpu.memory_space<smem>>
    %add3A_108 = arith.addi %add3A_100, %get3A_107 : i32
    %get3A_109 = arith.constant 0 : index
    %get3A_110 = arith.constant 12 : index
    %get3A_111 = memref.load %arg4[%get3A_109, %get3A_110] : memref<1x16xi32, #tpu.memory_space<smem>>
    %add3A_112 = arith.addi %add3A_104, %get3A_111 : i32
    %get3A_113 = arith.constant 0 : index
    %get3A_114 = arith.constant 5 : index
    %get3A_115 = memref.load %arg4[%get3A_113, %get3A_114] : memref<1x16xi32, #tpu.memory_space<smem>>
    %add3A_116 = arith.addi %add3A_108, %get3A_115 : i32
    %get3A_117 = arith.constant 0 : index
    %get3A_118 = arith.constant 13 : index
    %get3A_119 = memref.load %arg4[%get3A_117, %get3A_118] : memref<1x16xi32, #tpu.memory_space<smem>>
    %add3A_120 = arith.addi %add3A_112, %get3A_119 : i32
    %get3A_121 = arith.constant 0 : index
    %get3A_122 = arith.constant 6 : index
    %get3A_123 = memref.load %arg4[%get3A_121, %get3A_122] : memref<1x16xi32, #tpu.memory_space<smem>>
    %add3A_124 = arith.addi %add3A_116, %get3A_123 : i32
    %get3A_125 = arith.constant 0 : index
    %get3A_126 = arith.constant 14 : index
    %get3A_127 = memref.load %arg4[%get3A_125, %get3A_126] : memref<1x16xi32, #tpu.memory_space<smem>>
    %add3A_128 = arith.addi %add3A_120, %get3A_127 : i32
    %get3A_129 = arith.constant 0 : index
    %get3A_130 = arith.constant 7 : index
    %get3A_131 = memref.load %arg4[%get3A_129, %get3A_130] : memref<1x16xi32, #tpu.memory_space<smem>>
    %add3A_132 = arith.addi %add3A_124, %get3A_131 : i32
    %get3A_133 = arith.constant 0 : index
    %get3A_134 = arith.constant 15 : index
    %get3A_135 = memref.load %arg4[%get3A_133, %get3A_134] : memref<1x16xi32, #tpu.memory_space<smem>>
    %add3A_136 = arith.addi %add3A_128, %get3A_135 : i32
    %convert_element_type3A = arith.sitofp %add3A_132 : i32 to f32
    %div3A = arith.constant 1.310720e+05 : f32
    %div3A_137 = arith.divf %convert_element_type3A, %div3A : f32
    %convert_element_type3A_138 = arith.sitofp %add3A_136 : i32 to f32
    %div3A_139 = arith.constant 3.276800e+04 : f32
    %div3A_140 = arith.divf %convert_element_type3A_138, %div3A_139 : f32
    %iota3A = tpu.iota {dimensions = array<i32: 1>} : vector<1x2xi32>
    %eq3A = arith.constant 0 : i32
    %eq3A_141 = vector.broadcast %eq3A : i32 to vector<1x2xi32>
    %eq3A_142 = arith.cmpi eq, %iota3A, %eq3A_141 : vector<1x2xi32>
    %broadcast_in_dim3A_143 = vector.broadcast %div3A_137 : f32 to vector<1x2xf32>
    %broadcast_in_dim3A_144 = vector.broadcast %div3A_140 : f32 to vector<1x2xf32>
    %select_n3A_145 = arith.select %eq3A_142, %broadcast_in_dim3A_143, %broadcast_in_dim3A_144 : vector<1x2xi1>, vector<1x2xf32>
    %swap3A_146 = arith.constant 0 : index
    %swap3A_147 = arith.constant 0 : index
    %swap3A_148 = vector.load %arg15[%swap3A_146, %swap3A_147] : memref<1x2xf32, #tpu.memory_space<vmem>>, vector<1x2xf32>
    tpu.vector_store %arg15[%swap3A_146, %swap3A_147], %select_n3A_145 {strides = array<i32>} : memref<1x2xf32, #tpu.memory_space<vmem>>, vector<1x2xf32>,
    return
  }
  func.func @transform_0(%arg0: i32, %arg1: i32) -> (i32, i32, i32) {
    %c0_i32 = arith.constant 0 : i32
    %c0_i32_0 = arith.constant 0 : i32
    %c0_i32_1 = arith.constant 0 : i32
    return %arg0, %c0_i32, %c0_i32_0 : i32, i32, i32
  }
  func.func @transform_1(%arg0: i32, %arg1: i32) -> (i32, i32, i32) {
    %c0_i32 = arith.constant 0 : i32
    %c0_i32_0 = arith.constant 0 : i32
    %c0_i32_1 = arith.constant 0 : i32
    return %arg0, %c0_i32, %c0_i32_0 : i32, i32, i32
  }
  func.func @transform_2(%arg0: i32, %arg1: i32) -> (i32, i32) {
    %c0_i32 = arith.constant 0 : i32
    %c0_i32_0 = arith.constant 0 : i32
    %c0_i32_1 = arith.constant 0 : i32
    return %c0_i32, %c0_i32_0 : i32, i32
  }
  func.func @transform_3(%arg0: i32, %arg1: i32) -> (i32, i32, i32, i32) {
    %c0_i32 = arith.constant 0 : i32
    %c0_i32_0 = arith.constant 0 : i32
    %c0_i32_1 = arith.constant 0 : i32
    %c0_i32_2 = arith.constant 0 : i32
    return %arg0, %c0_i32, %c0_i32_0, %c0_i32_1 : i32, i32, i32, i32
  }
  func.func @transform_4(%arg0: i32, %arg1: i32) -> (i32, i32, i32, i32) {
    %c0_i32 = arith.constant 0 : i32
    %c0_i32_0 = arith.constant 0 : i32
    %c0_i32_1 = arith.constant 0 : i32
    %c0_i32_2 = arith.constant 0 : i32
    return %arg0, %c0_i32, %c0_i32_0, %c0_i32_1 : i32, i32, i32, i32
  }
  func.func @transform_5(%arg0: i32, %arg1: i32) -> (i32, i32, i32, i32) {
    %c0_i32 = arith.constant 0 : i32
    %c0_i32_0 = arith.constant 0 : i32
    %c0_i32_1 = arith.constant 0 : i32
    return %arg0, %arg1, %c0_i32, %c0_i32_0 : i32, i32, i32, i32
  }
  func.func @transform_6(%arg0: i32, %arg1: i32) -> (i32, i32, i32, i32) {
    %c0_i32 = arith.constant 0 : i32
    %c0_i32_0 = arith.constant 0 : i32
    %c0_i32_1 = arith.constant 0 : i32
    return %arg0, %arg1, %c0_i32, %c0_i32_0 : i32, i32, i32, i32
  }
  func.func @transform_7(%arg0: i32, %arg1: i32) -> (i32, i32, i32, i32) {
    %c0_i32 = arith.constant 0 : i32
    %c0_i32_0 = arith.constant 0 : i32
    %c0_i32_1 = arith.constant 0 : i32
    return %arg0, %arg1, %c0_i32, %c0_i32_0 : i32, i32, i32, i32
  }
  func.func @transform_8(%arg0: i32, %arg1: i32) -> (i32, i32, i32, i32) {
    %c0_i32 = arith.constant 0 : i32
    %c0_i32_0 = arith.constant 0 : i32
    %c0_i32_1 = arith.constant 0 : i32
    return %arg0, %arg1, %c0_i32, %c0_i32_0 : i32, i32, i32, i32
  }
  func.func @transform_9(%arg0: i32, %arg1: i32) -> (i32, i32, i32, i32) {
    %c0_i32 = arith.constant 0 : i32
    %c0_i32_0 = arith.constant 0 : i32
    %c0_i32_1 = arith.constant 0 : i32
    return %arg0, %arg1, %c0_i32, %c0_i32_0 : i32, i32, i32, i32
  }
  func.func @transform_10(%arg0: i32, %arg1: i32) -> (i32, i32, i32, i32) {
    %c0_i32 = arith.constant 0 : i32
    %c0_i32_0 = arith.constant 0 : i32
    %c0_i32_1 = arith.constant 0 : i32
    return %arg0, %arg1, %c0_i32, %c0_i32_0 : i32, i32, i32, i32
  }
  func.func @transform_11(%arg0: i32, %arg1: i32) -> (i32, i32, i32, i32) {
    %c0_i32 = arith.constant 0 : i32
    %c0_i32_0 = arith.constant 0 : i32
    %c0_i32_1 = arith.constant 0 : i32
    return %arg0, %arg1, %c0_i32, %c0_i32_0 : i32, i32, i32, i32
  }
  func.func @transform_12(%arg0: i32, %arg1: i32) -> (i32, i32, i32, i32) {
    %c0_i32 = arith.constant 0 : i32
    %c0_i32_0 = arith.constant 0 : i32
    %c0_i32_1 = arith.constant 0 : i32
    return %arg0, %arg1, %c0_i32, %c0_i32_0 : i32, i32, i32, i32
  }
  func.func @transform_13(%arg0: i32, %arg1: i32) -> (i32, i32) {
    %c0_i32 = arith.constant 0 : i32
    %c0_i32_0 = arith.constant 0 : i32
    %c0_i32_1 = arith.constant 0 : i32
    return %c0_i32, %c0_i32_0 : i32, i32
  }
}

</mosaic_0001>

<sc_bundles>
// kernel: kernel.4.cloned.1.call-start
scs
__scs_entry_jumppad:
0x0: {  	(pc) =	sbr.rel $0x88, $3  }
0x1: {  	(tag) =	ssettag $0x0;
	lr =	simm.s32 $0x1  }
0x2: {  	[smem:$0x3F9B] =	sst lr;
	_ =	strace $0xD0000000  }
0x3: {  	_ = 	snop  }
0x4: {  	_ = 	snop  }
0x5: {  	_ = 	snop  }
0x6: {  	_ = 	snop  }
0x7: {  	_ = 	snop  }
__scs_overlays_trampoline_lowered:
0x8: {  	[smem:$0x3FAA] =	sst s0  }
0x9: {  	[smem:$0x3FAB] =	sst s1  }
0xa: {  	[smem:$0x3FAC] =	sst s2  }
0xb: {  	[smem:$0x3FAD] =	sst s3  }
0xc: {  	[smem:$0x3FAE] =	sst s4  }
0xd: {  	[smem:$0x3FAF] =	sst s5  }
0xe: {  	[smem:$0x3FB0] =	sst s6  }
0xf: {  	[smem:$0x3FB1] =	sst s7  }
0x10: {  	[smem:$0x3FB2] =	sst s8  }
0x11: {  	[smem:$0x3FB3] =	sst s9;
	s0 =	simm.s32 @!p0 $0x0  }
0x12: {  	s1 =	sld [smem:$0x3F99];
	s0 =	simm.s32 @p0 $0x1  }
0x13: {  	[smem:$0x3FB4] =	sst s0;
	s0 =	simm.s32 @!p1 $0x0  }
0x14: {  	s2 =	sld [smem:$0x3F98];
	s0 =	simm.s32 @p1 $0x1  }
0x15: {  	[smem:$0x3FB5] =	sst s0;
	s0 =	simm.s32 @!p2 $0x0  }
0x16: {  	s3 =	sld [smem:$0x3FDB];
	s0 =	simm.s32 @p2 $0x1  }
0x17: {  	s4 =	simm.s32 $0x1BF5;
	[smem:$0x3FB7] =	sst s0  }
0x18: {  	s0 =	sld [smem:$0x3F9A];
	_ =	swait.ge [sflag:s4], $0x0  }
0x19: {  	s7 =	sld [smem:$0x3F9B]  }
0x1a: {  	s8 =	sadd.s32 $0xFFFFE003, lr  }
0x1b: {  	s9 =	sadd.s32 $0xFFFFFEF7, lr;
	s5 =	simm.s32 $0xFFFFFFFF;
	p2 =	slt.u32 s8, $0xFFFFF086  }
0x1c: {  	p1 =	slt.u32 s9, $0xF7A;
	s5 =	simm.s32 @!p2 $0x0  }
0x1d: {  	s5 =	simm.s32 @p1 $0x1;
	p0 =	seq.s32 s7, s2  }
0x1e: {  	s7 =	smul.u32 @!p0 $0xF7A, s2;
	p2 =	seq.s32 @!p0 s5, $0x0  }
0x1f: {  	s9 =	smul.u32 $0xF7A, s1;
	s8 =	simm.s32 @!p0 $0x1BF5;
	p2 =	por !p2, p0  }
0x20: {  	[sflag:s8] =	ssyncset.s32 @!p0 $0xFFFFF086;
	s6 =	sadd.s32 @!p0 s3, s7;
	s7 =	simm.s32 @!p0 $0x108  }
0x21: {  	s3 =	sadd.s32 s3, s9;
	s6 =	sadd.s32 @!p0 $0x88, s6;
	s7 =	simm.s32 @p2 $0x1082  }
0x22: {  	[simem:s7], [sflag:s8] =	dma.local @!p0 [hbm:s6], $0xF7A  }
0x23: {  	s9 =	sor.u32 $0xD0000000, s2;
	s6 =	simm.s32 $0x108;
	_ =	swait.ge @!p0 [sflag:s8], $0x0  }
0x24: {  	s3 =	sadd.s32 $0x88, s3;
	s6 =	simm.s32 @!p1 $0x1082;
	[sflag:s4] =	ssyncset.s32 $0xFFFFF086  }
0x25: {  	[simem:s6], [sflag:s4] =	dma.local [hbm:s3], $0xF7A  }
0x26: {  	[smem:$0x3F9B] =	sst s1;
	(tag) =	ssettag s2;
	_ =	strace s9  }
0x27: {  	s1 =	sld [smem:$0x3FAB]  }
0x28: {  	s2 =	sld [smem:$0x3FAC]  }
0x29: {  	s4 =	sld [smem:$0x3FAE]  }
0x2a: {  	p0 =	seq.s32 s5, $0x0;
	s5 =	sld [smem:$0x3FAF]  }
0x2b: {  	s6 =	sld [smem:$0x3FB0]  }
0x2c: {  	s7 =	sld [smem:$0x3FB1]  }
0x2d: {  	s3 =	simm.s32 $0x108;
	s8 =	sld [smem:$0x3FB2]  }
0x2e: {  	s3 =	simm.s32 @!p0 $0x1082;
	s9 =	sld [smem:$0x3FB3]  }
0x2f: {  	lr =	sadd.s32 s0, s3;
	s0 =	sld [smem:$0x3FAA]  }
0x30: {  	s3 =	sld [smem:$0x3FAD]  }
0x31: {  	[smem:$0x3FB6] =	sst s10  }
0x32: {  	s10 =	sld [smem:$0x3FB4];
	_ =	sdelay $0x3  }
0x33: {  	p0 =	seq.s32 s10, $0x1;
	s10 =	sld [smem:$0x3FB6];
	_ =	sdelay $0x3  }
0x34: {  	[smem:$0x3FB6] =	sst s10  }
0x35: {  	s10 =	sld [smem:$0x3FB5];
	_ =	sdelay $0x3  }
0x36: {  	p1 =	seq.s32 s10, $0x1;
	s10 =	sld [smem:$0x3FB6];
	_ =	sdelay $0x3  }
0x37: {  	[smem:$0x3FB6] =	sst s10  }
0x38: {  	s10 =	sld [smem:$0x3FB7]  }
0x39: {  	_ = 	snop;
	(pc) =	sbr.ind lr, $3  }
0x3a: {  	_ = 	snop  }
0x3b: {  	_ = 	snop  }
0x3c: {  	p2 =	seq.s32 s10, $0x1;
	s10 =	sld [smem:$0x3FB6]  }
0x3d: {  	_ =	shalt  }
0x3e: {  	_ =	shalt  }
0x3f: {  	_ =	shalt  }
0x40: {  	_ =	shalt  }
0x41: {  	_ =	shalt  }
0x42: {  	_ =	shalt  }
0x43: {  	_ =	shalt  }
0x44: {  	_ =	shalt  }
0x45: {  	_ =	shalt  }
0x46: {  	_ =	shalt  }
0x47: {  	_ =	shalt  }
0x48: {  	_ =	shalt  }
0x49: {  	_ =	shalt  }
0x4a: {  	_ =	shalt  }
0x4b: {  	_ =	shalt  }
0x4c: {  	_ =	shalt  }
0x4d: {  	_ =	shalt  }
0x4e: {  	_ =	shalt  }
0x4f: {  	_ =	shalt  }
0x50: {  	_ =	shalt  }
0x51: {  	_ =	shalt  }
0x52: {  	_ =	shalt  }
0x53: {  	_ =	shalt  }
0x54: {  	_ =	shalt  }
0x55: {  	_ =	shalt  }
0x56: {  	_ =	shalt  }
0x57: {  	_ =	shalt  }
0x58: {  	_ =	shalt  }
0x59: {  	_ =	shalt  }
0x5a: {  	_ =	shalt  }
0x5b: {  	_ =	shalt  }
0x5c: {  	_ =	shalt  }
0x5d: {  	_ =	shalt  }
0x5e: {  	_ =	shalt  }
0x5f: {  	_ =	shalt  }
0x60: {  	_ =	shalt  }
0x61: {  	_ =	shalt  }
0x62: {  	_ =	shalt  }
0x63: {  	_ =	shalt  }
0x64: {  	_ =	shalt  }
0x65: {  	_ =	shalt  }
0x66: {  	_ =	shalt  }
0x67: {  	_ =	shalt  }
0x68: {  	_ =	shalt  }
0x69: {  	_ =	shalt  }
0x6a: {  	_ =	shalt  }
0x6b: {  	_ =	shalt  }
0x6c: {  	_ =	shalt  }
0x6d: {  	_ =	shalt  }
0x6e: {  	_ =	shalt  }
0x6f: {  	_ =	shalt  }
0x70: {  	_ =	shalt  }
0x71: {  	_ =	shalt  }
0x72: {  	_ =	shalt  }
0x73: {  	_ =	shalt  }
0x74: {  	_ =	shalt  }
0x75: {  	_ =	shalt  }
0x76: {  	_ =	shalt  }
0x77: {  	_ =	shalt  }
0x78: {  	_ =	shalt  }
0x79: {  	_ =	shalt  }
0x7a: {  	_ =	shalt  }
0x7b: {  	_ =	shalt  }
0x7c: {  	_ =	shalt  }
0x7d: {  	_ =	shalt  }
0x7e: {  	_ =	shalt  }
0x7f: {  	_ =	shalt  }
0x80: {  	_ =	shalt  }
0x81: {  	_ =	shalt  }
0x82: {  	_ =	shalt  }
0x83: {  	_ =	shalt  }
0x84: {  	_ =	shalt  }
0x85: {  	_ =	shalt  }
0x86: {  	_ =	shalt  }
0x87: {  	_ =	shalt  }
.Lfunc_end0:
.L_simem_size_0:
called_computation_lowered:
.L_overlay_start_0:
0x88: {  	s2 =	sld [smem:$0x3FD9]  }
0x89: {  	s3 =	sld [smem:$0x3FFE];
	_ =	sdelay $0x1  }
0x8a: {  	s1 =	srdreg.scid  }
0x8b: {  	s0 =	sand.u32 $0x1, s1  }
0x8c: {  	s14 =	sshll.u32 s0, $0xA;
	s2 =	sadd.s32 s3, s2  }
0x8d: {  	s2 =	sadd.s32 s2, s14  }
0x8e: {  	[smem:$0x3FC2] =	sst s2  }
0x8f: {  	_ = 	snop  }
0x90: {  	s2 =	sld [smem:$0x3FD0];
	_ =	sdelay $0x2  }
0x91: {  	s15 =	simm.s32 $0xA;
	s4 =	simm.s32 $0x10  }
0x92: {  	[smem:s4], [sflag:s15] =	dma.local [hbm:s2], $0x1  }
0x93: {  	_ =	swait.eq [sflag:s15], $0x1  }
0x94: {  	[sflag:s15] =	ssyncset.done $0x0  }
0x95: {  	s16 =	sld [smem:$0x10];
	[sflag:s15] =	ssyncadd.s32 $0xFFFFFFFF  }
0x96: {  	s17 =	sld [smem:$0x11];
	(tm) =	ssettm $0x1  }
0x97: {  	s18 =	sld [smem:$0x3FFB];
	_ =	sdelay $0x3  }
0x98: {  	_ =	strace s18  }
0x99: {  	s4 =	sld [smem:$0x3FFC];
	_ =	sdelay $0x3  }
0x9a: {  	_ =	strace s4  }
0x9b: {  	s4 =	sld [smem:$0x3FFD];
	_ =	sdelay $0x3  }
0x9c: {  	_ =	strace s4  }
0x9d: {  	_ =	strace $0x8FFFFFFF  }
0x9e: {  	s19 =	sld [smem:$0x3FDB];
	_ =	sdelay $0x1  }
0x9f: {  	s5 =	simm.s32 $_scs_section_size  }
0xa0: {  	s6 =	simm.s32 $_size__tile_overlayer_lowered;
	s7 =	simm.s32 $_tile_overlayer_lowered  }
0xa1: {  	s22 =	simm.s32 $0x1BFF;
	s21 =	sshll.u32 s7, $0x1;
	s4 =	sadd.s32 s5, s19  }
0xa2: {  	s8 =	simm.s32 $0x0;
	s20 =	sshll.u32 s6, $0x1;
	s6 =	sadd.s32 s21, s4  }
0xa3: {  	[timem:s8], [sflag:s22] =	dma.local [hbm:s6], s20  }
0xa4: {  	_ =	swait.ge [sflag:s22], s20  }
0xa5: {  	s5 =	ssub.s32 $0x0, s20;
	[sflag:s22] =	ssyncset.done $0x0  }
0xa6: {  	[sflag:s22] =	ssyncadd.s32 s5;
	_ =	sdelay $0x1  }
0xa7: {  	s23 =	simm.s32 $0x1B8B  }
0xa8: {  	_ =	swait.ge [sflag:s23], $0x1  }
0xa9: {  	[sflag:s23] =	ssyncset.done $0x0  }
0xaa: {  	s25 =	simm.s32 $0x1B8E;
	s24 =	sld [smem:$0x3FFE];
	[sflag:s23] =	ssyncadd.s32 $0xFFFFFFFF  }
0xab: {  	s26 =	simm.s32 $execute0_lowered;
	[smem:$0x3FD2] =	sst s25  }
0xac: {  	s6 =	sshll.u32 s26, $0x1;
	_ =	strace $0x80000046;
	[dreg:$0x1] =	wrdreg $0xFFFFFFFF  }
0xad: {  	s28 =	simm.s32 $_size_execute0_lowered;
	s4 =	sadd.s32 s4, s6;
	[dreg:$0x0] =	wrdreg $0x0  }
0xae: {  	s6 =	sshll.u32 s28, $0x1;
	[dreg:$0x2] =	wrdreg s4  }
0xaf: {  	[dreg:$0x3] =	wrdreg s6  }
0xb0: {  	[dreg:$0x4] =	wrdreg $0xC0  }
0xb1: {  	_ =	task [dreg:s8], $0x5FFFF  }
0xb2: {  	[dreg:$0x1] =	wrdreg $0xFFFFFFFF  }
0xb3: {  	[dreg:$0x0] =	wrdreg $0x60  }
0xb4: {  	[dreg:$0x2] =	wrdreg s17  }
0xb5: {  	[dreg:$0x3] =	wrdreg s16  }
0xb6: {  	[dreg:$0x4] =	wrdreg s24  }
0xb7: {  	[dreg:$0x5] =	wrdreg $0x9  }
0xb8: {  	_ =	task.clear_ibuf [dreg:s8], $0x6FFFF;
	_ =	strace $0x90000046  }
0xb9: {  	s29 =	simm.s32 $0x9;
	_ =	strace $0x80000048  }
0xba: {  	_ =	swait.ge [sflag:s29], $0x1  }
0xbb: {  	[sflag:s29] =	ssyncadd.s32 $0xFFFFFFFF  }
0xbc: {  	_ =	strace $0x90000048  }
0xbd: {  	_ =	sfence  }
0xbe: {  	s30 =	sld [smem:$0x0];
	_ =	sdelay $0x2  }
0xbf: {  	s31 =	sshll.u32 s1, $0xD;
	s1 =	sshrl.u32 s1, $0x2  }
0xc0: {  	s3 =	sand.u32 $0x4000, s31;
	s1 =	sadd.s32 s1, s30  }
0xc1: {  	s0 =	sor.u32 s3, s0;
	s1 =	sshll.u32 s1, $0x11  }
0xc2: {  	s0 =	sor.u32 s1, s0  }
0xc3: {  	s0 =	sadd.s32 $0x8F2B, s0  }
0xc4: {  	[sflag:s0] =	ssyncadd.remote.s32 $0x1  }
0xc5: {  	_ =	sfence.sel $0xFFFF  }
0xc6: {  	[dreg:$0x0] =	wrdreg $0xFFFFFFFF;
	(pc) =	sbr.abs _section_cstart, $3  }
0xc7: {  	[dreg:$0x1] =	wrdreg $0xFFFFFFFF  }
0xc8: {  	_ =	task.clear_ibuf [dreg:s8], $0x2FFFF;
	_ =	strace $0x9FFFFFFF  }
0xc9: {  	(tm) =	ssettm $0x7FFFFFFF  }
tec
execute0_lowered:
.L_overlay_start_1:
0x0: {  	(tag) =	ssettag $0x1  }
0x1: {  	s3 =	rddreg [dreg:$0x0]  }
0x2: {  	s5 =	rddreg [dreg:$0x1]  }
0x3: {  	s4 =	rddreg [dreg:$0x2]  }
0x4: {  	s0 =	rddreg [dreg:$0x3]  }
0x5: {  	s6 =	srdreg.scid;
	s1 =	stileid.u32;
	s2 =	simm.s32 $0x0  }
0x6: {  	s11 =	simm.s32 $0x0;
	s6 =	sand.u32 $0x1, s6;
	s7 =	sshll.u32 s1, $0x1  }
0x7: {  	[smem:$0x7FF] =	sst s2;
	p0 =	slt.u32 s1, $0x4;
	s10 =	sand.u32 $0xC, s1  }
0x8: {  	p1 =	sgt.u32 s1, $0x3;
	p3 =	sgt.u32 s1, $0x7;
	s7 =	sor.u32 s6, s7  }
0x9: {  	s6 =	ssub.s32 $0x2, s6;
	_ =	strace $0x80000047;
	p2 =	sne.s32 s10, $0x4  }
0xa: {  	s10 =	simm.s32 $0x1;
	s12 =	simm.s32 @!p1 $0x0;
	s8 =	sshll.u32 s7, $0x1  }
0xb: {  	s9 =	sshrl.u32 s6, $0x1;
	s29 =	sshll.u32 s7, $0x7;
	s30 =	sshll.u32 s7, $0x4  }
0xc: {  	s12 =	simm.s32 @p1 $0x1;
	s8 =	sadd.s32 s8, s4;
	s9 =	ssub.s32 s6, s9  }
0xd: {  	s4 =	sadd.s32 $0xFFFFFC00, s29;
	s3 =	sadd.s32 s3, s30;
	s6 =	simm.s32 @!p0 $0x0  }
0xe: {  	[smem:$0x7FB] =	sst s12;
	s12 =	simm.s32 @!p2 $0x0;
	s31 =	sshrl.u32 s4, $0x3  }
.Ltmp0:
0xf: {  	s4 =	simm.s32 $0x3000;
	s6 =	simm.s32 @p0 $0x1;
	(pc) =	sbr.rel .LBB2_1-.Ltmp0, $4  }
0x10: {  	v0 =	vlaneseq.u32;
	s7 =	smax.u32 s9, $0x1;
	s9 =	simm.s32 $0x8000;
	s12 =	simm.s32 @p2 $0x1  }
0x11: {  	v2 =	vimm.s32 $0x0;
	v3 =	vmul.u32 $0x400, v0;
	v5 =	vmul.u32 $0xFFFFFFFF, v0;
	s5 =	sadd.s32 s5, s31;
	[smem:$0x7FC] =	sst s12;
	s12 =	simm.s32 @!p3 $0x0  }
0x12: {  	v4 =	vimm.s32 $0x1;
	vm0 =	vcmask $0x300;
	vm1 =	vcmask $0x704;
	[smem:$0x7FA] =	sst s6;
	s4 =	simm.s32 @!p0 $0xE66;
	s12 =	simm.s32 @p3 $0x1  }
0x13: {  	v3 =	vadd.s32 $0xFFFFE400, v3;
	v5 =	vadd.s32 $0xF, v5;
	s6 =	sadd.s32 $0x1000, s8;
	s8 =	simm.s32 $0x8400;
	v1 =	vmov s4;
	[smem:$0x7FD] =	sst s12  }
.LBB2_28:
0x14: {  	s13 =	sld [smem:$0x7FB];
	_ =	sdelay $0x2  }
0x15: {  	v6 =	vimm.s32 $0x0;
	p1 =	seq.s32 s13, $0x1  }
.LBB2_36:
0x16: {  	(xrf0) =	vadd.scan.msk.s32 $0xffff, v6;
	_ =	sdelay $0x5  }
0x17: {  	v6, _, _ =	vpop (xrf0)  }
0x18: {  	(v2sf) =	vpush v6, $0xF;
	_ =	sdelay $0xe  }
0x19: {  	s12 =	ssub.s32 s4, s12;
	s13 =	spop (v2sf)  }
0x1a: {  	v6 =	vnsel vm0, $0x0, v7;
	s12 =	sadd.s32 s13, s12  }
0x1b: {  	v6 =	vsel vm1, s12, v6  }
0x1c: {  	[tilespmem:$0x8000] =	vst v6  }
0x1d: {  	[hbm4b:s6+s2] =	stream.linear.scatter [tilespmem:s9], [sflag:$0x1], $0x10, $0x38;
	[tilespmem:$0xC400] =	vst v63  }
0x1e: {  	_ =	swait.ge [sflag:s10], $0x10  }
0x1f: {  	[sflag:s10] =	ssyncset.done $0x0  }
0x20: {  	[sflag:s10] =	ssyncadd.s32 $0xFFFFFFF0  }
.LBB2_37:
0x21: {  	s11 =	sadd.s32 $0x1, s11  }
0x22: {  	p0 =	sne.s32 s11, s7  }
.Ltmp1:
0x23: {  	_ = 	snop;
	(pc) =	sbr.rel @!p0 .LBB2_38-.Ltmp1, $1  }
0x24: {  	_ =	sdelay $0x3  }
.LBB2_1:
0x25: {  	s12 =	simm.s32 @!p1 $0x80;
	s13 =	simm.s32 @!p1 $0x400;
	s14 =	simm.s32 @!p1 $0x0  }
0x26: {  	[tilespmem:s14], [sflag:$0x1] =	stream.strided.gather @!p1 [hbm4b:s3+s12], $0x4000, s13, s12, $0x38;
	[tilespmem:$0xC400] =	vst v63  }
0x27: {  	s12 =	simm.s32 @!p1 $0x1  }
0x28: {  	_ =	swait.ge @!p1 [sflag:s12], $0x4000  }
0x29: {  	s13 =	simm.s32 @!p2 $0x400;
	[sflag:s12] =	ssyncset.done @!p1 $0x0  }
0x2a: {  	s14 =	simm.s32 @!p2 $0x0;
	[sflag:s12] =	ssyncadd.s32 @!p1 $0xFFFFC000;
	s12 =	simm.s32 @!p2 $0x80  }
0x2b: {  	[tilespmem:s14], [sflag:$0x1] =	stream.strided.gather @!p2 [hbm4b:s5+s12], $0x1000, s13, s12, $0x38;
	[tilespmem:$0xC400] =	vst v63  }
.Ltmp2:
0x2c: {  	_ = 	snop;
	(pc) =	sbr.rel @p3 .LBB2_37-.Ltmp2, $4  }
0x2d: {  	s12 =	simm.s32 @!p2 $0x1  }
0x2e: {  	_ =	swait.ge @!p2 [sflag:s12], $0x1000  }
0x2f: {  	[sflag:s12] =	ssyncset.done @!p2 $0x0  }
0x30: {  	[sflag:s12] =	ssyncadd.s32 @!p2 $0xFFFFF000  }
0x31: {  	s12 =	sld [smem:$0x7FA];
	_ =	sdelay $0x2  }
0x32: {  	p0 =	seq.s32 s12, $0x1  }
.Ltmp3:
0x33: {  	_ = 	snop;
	(pc) =	sbr.rel @p0 .LBB2_6-.Ltmp3, $2  }
0x34: {  	_ =	sdelay $0x2  }
0x35: {  	s13 =	simm.s32 $0x0  }
0x36: {  	s12 =	sshra.s32 s13, $0x2;
	s13 =	sadd.s32 $0x200, s13  }
.LBB2_4:
0x37: {  	p4 =	sne.s32 s13, $0xBE00;
	[tilespmem:s12+$0x1070] =	vst v2  }
0x38: {  	[tilespmem:s12+$0x1000] =	vst v2  }
0x39: {  	[tilespmem:s12+$0x1010] =	vst v2  }
.Ltmp4:
0x3a: {  	[tilespmem:s12+$0x1020] =	vst v2;
	(pc) =	sbr.rel @p4 .LBB2_4-.Ltmp4, $4  }
0x3b: {  	[tilespmem:s12+$0x1030] =	vst v2  }
0x3c: {  	[tilespmem:s12+$0x1040] =	vst v2  }
0x3d: {  	[tilespmem:s12+$0x1050] =	vst v2  }
0x3e: {  	[tilespmem:s12+$0x1060] =	vst v2;
	s12 =	sshra.s32 s13, $0x2;
	s13 =	sadd.s32 $0x200, s13  }
0x3f: {  	[tilespmem:s12+$0x1070] =	vst v2  }
0x40: {  	[tilespmem:s12+$0x1000] =	vst v2  }
0x41: {  	[tilespmem:s12+$0x1010] =	vst v2  }
0x42: {  	[tilespmem:s12+$0x1020] =	vst v2  }
0x43: {  	[tilespmem:s12+$0x1030] =	vst v2  }
0x44: {  	[tilespmem:s12+$0x1040] =	vst v2  }
0x45: {  	[tilespmem:s12+$0x1050] =	vst v2  }
0x46: {  	[tilespmem:s12+$0x1060] =	vst v2  }
.LBB2_6:
0x47: {  	s12 =	simm.s32 $0x0;
	s13 =	simm.s32 $0x0;
	s14 =	simm.s32 $0x200  }
.LBB2_7:
0x48: {  	p4 =	sne.s32 s14, $0xFE00;
	[tilespmem:s13+$0x4070] =	vst v2  }
0x49: {  	[tilespmem:s13+$0x4000] =	vst v2  }
0x4a: {  	[tilespmem:s13+$0x4010] =	vst v2  }
.Ltmp5:
0x4b: {  	[tilespmem:s13+$0x4020] =	vst v2;
	(pc) =	sbr.rel @p4 .LBB2_7-.Ltmp5, $4  }
0x4c: {  	[tilespmem:s13+$0x4030] =	vst v2  }
0x4d: {  	[tilespmem:s13+$0x4040] =	vst v2  }
0x4e: {  	[tilespmem:s13+$0x4050] =	vst v2  }
0x4f: {  	[tilespmem:s13+$0x4060] =	vst v2;
	s13 =	sshra.s32 s14, $0x2;
	s14 =	sadd.s32 $0x200, s14  }
0x50: {  	[tilespmem:s13+$0x4070] =	vst v2  }
0x51: {  	[tilespmem:s13+$0x4000] =	vst v2  }
0x52: {  	[tilespmem:s13+$0x4010] =	vst v2  }
0x53: {  	[tilespmem:s13+$0x4020] =	vst v2  }
0x54: {  	[tilespmem:s13+$0x4030] =	vst v2  }
0x55: {  	[tilespmem:s13+$0x4040] =	vst v2  }
0x56: {  	[tilespmem:s13+$0x4050] =	vst v2  }
0x57: {  	[tilespmem:s13+$0x4060] =	vst v2  }
.LBB2_9:
0x58: {  	s14 =	sshra.s32 s12, $0x2  }
0x59: {  	v6 =	vld [tilespmem:s14+$0x0];
	_ =	sdelay $0x4  }
0x5a: {  	v6 =	vshrl.u32 v6, $0x11  }
0x5b: {  	v6 =	vmax.u32 v6, $0x1C00  }
0x5c: {  	v6 =	vadd.s32 v3, v6;
	_ =	sdelay $0x3  }
0x5d: {  	s13 =	simm.s32 $0x4000  }
0x5e: {  	[tilespmem:v6+s13+$0x0] =	vst.idx.add.s32.msk $0xffff, v4  }
0x5f: {  	v6 =	vld [tilespmem:s14+$0x10];
	_ =	sdelay $0x4  }
0x60: {  	v6 =	vshrl.u32 v6, $0x11  }
0x61: {  	v6 =	vmax.u32 v6, $0x1C00  }
0x62: {  	v6 =	vadd.s32 v3, v6;
	_ =	sdelay $0x4  }
0x63: {  	[tilespmem:v6+s13+$0x0] =	vst.idx.add.s32.msk $0xffff, v4  }
0x64: {  	v6 =	vld [tilespmem:s14+$0x20];
	_ =	sdelay $0x4  }
0x65: {  	v6 =	vshrl.u32 v6, $0x11  }
0x66: {  	v6 =	vmax.u32 v6, $0x1C00  }
0x67: {  	v6 =	vadd.s32 v3, v6;
	_ =	sdelay $0x4  }
0x68: {  	[tilespmem:v6+s13+$0x0] =	vst.idx.add.s32.msk $0xffff, v4  }
0x69: {  	v6 =	vld [tilespmem:s14+$0x30];
	_ =	sdelay $0x4  }
0x6a: {  	v6 =	vshrl.u32 v6, $0x11  }
0x6b: {  	v6 =	vmax.u32 v6, $0x1C00  }
0x6c: {  	v6 =	vadd.s32 v3, v6;
	_ =	sdelay $0x4  }
0x6d: {  	[tilespmem:v6+s13+$0x0] =	vst.idx.add.s32.msk $0xffff, v4  }
0x6e: {  	v6 =	vld [tilespmem:s14+$0x40];
	_ =	sdelay $0x4  }
0x6f: {  	v6 =	vshrl.u32 v6, $0x11  }
0x70: {  	v6 =	vmax.u32 v6, $0x1C00  }
0x71: {  	v6 =	vadd.s32 v3, v6;
	_ =	sdelay $0x4  }
0x72: {  	[tilespmem:v6+s13+$0x0] =	vst.idx.add.s32.msk $0xffff, v4  }
0x73: {  	v6 =	vld [tilespmem:s14+$0x50];
	_ =	sdelay $0x4  }
0x74: {  	v6 =	vshrl.u32 v6, $0x11  }
0x75: {  	v6 =	vmax.u32 v6, $0x1C00  }
0x76: {  	v6 =	vadd.s32 v3, v6;
	_ =	sdelay $0x4  }
0x77: {  	[tilespmem:v6+s13+$0x0] =	vst.idx.add.s32.msk $0xffff, v4  }
0x78: {  	v6 =	vld [tilespmem:s14+$0x60];
	_ =	sdelay $0x4  }
0x79: {  	v6 =	vshrl.u32 v6, $0x11  }
0x7a: {  	v6 =	vmax.u32 v6, $0x1C00  }
0x7b: {  	v6 =	vadd.s32 v3, v6;
	_ =	sdelay $0x4  }
0x7c: {  	[tilespmem:v6+s13+$0x0] =	vst.idx.add.s32.msk $0xffff, v4  }
0x7d: {  	v6 =	vld [tilespmem:s14+$0x70];
	_ =	sdelay $0x4  }
0x7e: {  	v6 =	vshrl.u32 v6, $0x11  }
0x7f: {  	v6 =	vmax.u32 v6, $0x1C00  }
0x80: {  	p4 =	sne.s32 s12, $0xFE00;
	v6 =	vadd.s32 v3, v6  }
.Ltmp6:
0x81: {  	_ = 	snop;
	(pc) =	sbr.rel @p4 .LBB2_9-.Ltmp6, $2  }
0x82: {  	_ =	sdelay $0x2  }
0x83: {  	s12 =	sadd.s32 $0x200, s12;
	[tilespmem:v6+s13+$0x0] =	vst.idx.add.s32.msk $0xffff, v4  }
0x84: {  	s12 =	simm.s32 $0x0  }
0x85: {  	v7 =	vld [tilespmem:s13+$0x0];
	s14 =	sand.u32 $0x3F0, s12  }
0x86: {  	v6 =	vld [tilespmem:s14+$0x4400]  }
0x87: {  	v8 =	vld [tilespmem:s14+$0x4800]  }
0x88: {  	v9 =	vld [tilespmem:s14+$0x4C00]  }
0x89: {  	v10 =	vld [tilespmem:s14+$0x5000]  }
0x8a: {  	v11 =	vld [tilespmem:s14+$0x5400]  }
0x8b: {  	v6 =	vadd.s32 v7, v6;
	v7 =	vld [tilespmem:s14+$0x5800]  }
0x8c: {  	v6 =	vadd.s32 v8, v6;
	v8 =	vld [tilespmem:s14+$0x5C00]  }
0x8d: {  	v58 =	vld [tilespmem:s14+$0x6000];
	v6 =	vadd.s32 v9, v6  }
0x8e: {  	v59 =	vld [tilespmem:s14+$0x6400];
	v6 =	vadd.s32 v10, v6  }
0x8f: {  	v60 =	vld [tilespmem:s14+$0x6800];
	v6 =	vadd.s32 v11, v6  }
0x90: {  	v6 =	vadd.s32 v7, v6;
	v7 =	vld [tilespmem:s14+$0x6C00]  }
0x91: {  	v6 =	vadd.s32 v8, v6;
	v8 =	vld [tilespmem:s14+$0x7000]  }
0x92: {  	v61 =	vld [tilespmem:s14+$0x7400];
	v6 =	vadd.s32 v58, v6  }
0x93: {  	v62 =	vld [tilespmem:s14+$0x7800];
	v6 =	vadd.s32 v59, v6  }
0x94: {  	v63 =	vld [tilespmem:s14+$0x7C00];
	v6 =	vadd.s32 v60, v6  }
0x95: {  	v6 =	vadd.s32 v7, v6  }
0x96: {  	v6 =	vadd.s32 v8, v6  }
0x97: {  	v6 =	vadd.s32 v61, v6  }
0x98: {  	v6 =	vadd.s32 v62, v6  }
0x99: {  	s13 =	simm.s32 $0x8000;
	s31 =	simm.s32 $0x10;
	v6 =	vadd.s32 v63, v6  }
0x9a: {  	s14 =	sand.u32 $0x3F0, s31;
	[tilespmem:s13+$0x0] =	vst v6  }
0x9b: {  	s16 =	simm.s32 $0x20;
	s15 =	simm.s32 $0x4010;
	v6 =	vld [tilespmem:s14+$0x4400]  }
.LBB2_11:
0x9c: {  	p4 =	sne.s32 s16, $0x3F0;
	v7 =	vld [tilespmem:s15+$0x0]  }
0x9d: {  	v8 =	vld [tilespmem:s14+$0x4800]  }
0x9e: {  	v9 =	vld [tilespmem:s14+$0x4C00]  }
0x9f: {  	v10 =	vld [tilespmem:s14+$0x5000]  }
0xa0: {  	v11 =	vld [tilespmem:s14+$0x5400]  }
0xa1: {  	v6 =	vadd.s32 v7, v6;
	v7 =	vld [tilespmem:s14+$0x5800]  }
0xa2: {  	v6 =	vadd.s32 v8, v6;
	v8 =	vld [tilespmem:s14+$0x5C00]  }
0xa3: {  	v6 =	vadd.s32 v9, v6;
	v9 =	vld [tilespmem:s14+$0x6000]  }
0xa4: {  	v6 =	vadd.s32 v10, v6;
	v10 =	vld [tilespmem:s14+$0x6400]  }
0xa5: {  	v6 =	vadd.s32 v11, v6;
	v11 =	vld [tilespmem:s14+$0x6800]  }
0xa6: {  	v6 =	vadd.s32 v7, v6;
	v7 =	vld [tilespmem:s14+$0x6C00]  }
0xa7: {  	v6 =	vadd.s32 v8, v6;
	v8 =	vld [tilespmem:s14+$0x7000]  }
0xa8: {  	v6 =	vadd.s32 v9, v6;
	v9 =	vld [tilespmem:s14+$0x7400]  }
0xa9: {  	v6 =	vadd.s32 v10, v6;
	v10 =	vld [tilespmem:s14+$0x7800]  }
0xaa: {  	v6 =	vadd.s32 v11, v6;
	v11 =	vld [tilespmem:s14+$0x7C00]  }
0xab: {  	v6 =	vadd.s32 v7, v6  }
0xac: {  	v6 =	vadd.s32 v8, v6  }
.Ltmp7:
0xad: {  	v6 =	vadd.s32 v9, v6;
	(pc) =	sbr.rel @p4 .LBB2_11-.Ltmp7, $4  }
0xae: {  	v6 =	vadd.s32 v10, v6  }
0xaf: {  	s13 =	sadd.s32 $0x10, s13;
	v6 =	vadd.s32 v11, v6  }
0xb0: {  	s14 =	sand.u32 $0x3F0, s16;
	[tilespmem:s13+$0x0] =	vst v6  }
0xb1: {  	s15 =	sadd.s32 $0x10, s15;
	s16 =	sadd.s32 $0x10, s16;
	v6 =	vld [tilespmem:s14+$0x4400]  }
0xb2: {  	v7 =	vld [tilespmem:s15+$0x0]  }
0xb3: {  	v8 =	vld [tilespmem:s14+$0x4800]  }
0xb4: {  	v9 =	vld [tilespmem:s14+$0x4C00]  }
0xb5: {  	v10 =	vld [tilespmem:s14+$0x5000]  }
0xb6: {  	v11 =	vld [tilespmem:s14+$0x5400]  }
0xb7: {  	v6 =	vadd.s32 v7, v6;
	v7 =	vld [tilespmem:s14+$0x5800]  }
0xb8: {  	v6 =	vadd.s32 v8, v6;
	v8 =	vld [tilespmem:s14+$0x5C00]  }
0xb9: {  	v58 =	vld [tilespmem:s14+$0x6000];
	v6 =	vadd.s32 v9, v6  }
0xba: {  	v59 =	vld [tilespmem:s14+$0x6400];
	v6 =	vadd.s32 v10, v6  }
0xbb: {  	v60 =	vld [tilespmem:s14+$0x6800];
	v6 =	vadd.s32 v11, v6  }
0xbc: {  	v6 =	vadd.s32 v7, v6;
	v7 =	vld [tilespmem:s14+$0x6C00]  }
0xbd: {  	v6 =	vadd.s32 v8, v6;
	v8 =	vld [tilespmem:s14+$0x7000]  }
0xbe: {  	v61 =	vld [tilespmem:s14+$0x7400];
	v6 =	vadd.s32 v58, v6  }
0xbf: {  	v62 =	vld [tilespmem:s14+$0x7800];
	v6 =	vadd.s32 v59, v6  }
0xc0: {  	v63 =	vld [tilespmem:s14+$0x7C00];
	v6 =	vadd.s32 v60, v6  }
0xc1: {  	v6 =	vadd.s32 v7, v6  }
0xc2: {  	v6 =	vadd.s32 v8, v6  }
0xc3: {  	v6 =	vadd.s32 v61, v6  }
0xc4: {  	v6 =	vadd.s32 v62, v6  }
0xc5: {  	s13 =	sadd.s32 $0x10, s13;
	v6 =	vadd.s32 v63, v6  }
0xc6: {  	s25 =	simm.s32 $0x83F0;
	[tilespmem:s13+$0x0] =	vst v6  }
0xc7: {  	v6 =	vld [tilespmem:s25+$0x0];
	_ =	sdelay $0x4  }
0xc8: {  	(xrf0) =	vadd.scan.msk.s32 $0xffff, v6;
	_ =	sdelay $0x5  }
0xc9: {  	v6, _, _ =	vpop (xrf0)  }
0xca: {  	(v2sf) =	vpush v6, $0xF;
	_ =	sdelay $0x1  }
0xcb: {  	s26 =	simm.s32 $0x83E0  }
0xcc: {  	v6 =	vld [tilespmem:s26+$0x0]  }
0xcd: {  	s28 =	simm.s32 $0x83D0  }
0xce: {  	v7 =	vld [tilespmem:s28+$0x0];
	_ =	sdelay $0x2  }
0xcf: {  	(xrf0) =	vadd.scan.msk.s32 $0xffff, v6;
	_ =	sdelay $0x1  }
0xd0: {  	(xrf0) =	vadd.scan.msk.s32 $0xffff, v7;
	_ =	sdelay $0x2  }
0xd1: {  	s29 =	simm.s32 $0x83C0  }
0xd2: {  	v8 =	vld [tilespmem:s29+$0x0];
	v7, _, _ =	vpop (xrf0)  }
0xd3: {  	s31 =	spop (v2sf);
	(v2sf) =	vpush v7, $0xF  }
0xd4: {  	v7, _, _ =	vpop (xrf0)  }
0xd5: {  	(v2sf) =	vpush v7, $0xF;
	_ =	sdelay $0x1  }
0xd6: {  	s30 =	simm.s32 $0x83B0;
	(xrf0) =	vadd.scan.msk.s32 $0xffff, v8  }
0xd7: {  	v6 =	vld [tilespmem:s30+$0x0];
	_ =	sdelay $0x1  }
0xd8: {  	s20 =	simm.s32 $0x3F;
	s19 =	simm.s32 $0x3E;
	s16 =	simm.s32 $0x3D  }
0xd9: {  	s17 =	simm.s32 $0x3C;
	s15 =	simm.s32 $0x3B;
	s21 =	simm.s32 $0x3A  }
0xda: {  	s22 =	simm.s32 $0x83A0;
	p5 =	sgt.s32 s4, $0x0;
	s14 =	sadd.s32 $0x0, s31  }
0xdb: {  	s18 =	simm.s32 $0x0;
	s13 =	simm.s32 $0x0;
	(xrf0) =	vadd.scan.msk.s32 $0xffff, v6;
	v6, _, _ =	vpop (xrf0);
	p6 =	sge.s32 s14, s4  }
.LBB2_13:
0xdc: {  	p4 =	sne.s32 s21, $0x0;
	p5 =	por !p5, !p6;
	s23 =	smov.u32 s21  }
0xdd: {  	v7 =	vld [tilespmem:s22+$0x0];
	(v2sf) =	vpush v6, $0xF;
	s21 =	sadd.s32 $0xFFFFFFFF, s21;
	s24 =	smov.u32 s18;
	s18 =	smov.u32 s14  }
.Ltmp8:
0xde: {  	p5 =	por !p5, !p5;
	(pc) =	sbr.rel @p4 .LBB2_13-.Ltmp8, $4  }
0xdf: {  	s12 =	smov.u32 @p5 s20;
	s13 =	smov.u32 @p5 s24;
	s20 =	smov.u32 s19  }
0xe0: {  	s19 =	smov.u32 s16;
	s16 =	smov.u32 s17;
	s24 =	spop (v2sf)  }
0xe1: {  	s17 =	smov.u32 s15;
	s15 =	smov.u32 s23;
	s14 =	sadd.s32 s14, s24  }
0xe2: {  	s22 =	sadd.s32 $0xFFFFFFF0, s22;
	p5 =	slt.s32 s18, s4;
	(xrf0) =	vadd.scan.msk.s32 $0xffff, v7;
	v6, _, _ =	vpop (xrf0);
	p6 =	sge.s32 s14, s4  }
0xe3: {  	_ =	sdelay $0x4  }
0xe4: {  	(v2sf) =	vpush v6, $0xF;
	v6, _, _ =	vpop (xrf0)  }
0xe5: {  	(v2sf) =	vpush v6, $0xF;
	_ =	sdelay $0x6  }
0xe6: {  	p4 =	por !p5, !p6  }
0xe7: {  	s21 =	spop (v2sf);
	p4 =	por !p4, !p4  }
0xe8: {  	s12 =	smov.u32 @p4 s20;
	s20 =	sadd.s32 s14, s21  }
0xe9: {  	p0 =	slt.s32 s14, s4;
	p1 =	sge.s32 s20, s4  }
0xea: {  	p5 =	por !p0, !p1  }
0xeb: {  	p5 =	por !p5, !p5;
	s29 =	spop (v2sf)  }
0xec: {  	p2 =	slt.s32 s20, s4;
	s12 =	smov.u32 @p5 s19;
	s21 =	sadd.s32 s20, s29  }
0xed: {  	p3 =	sge.s32 s21, s4;
	p1 =	slt.s32 s21, s4;
	s22 =	spop (v2sf)  }
0xee: {  	p3 =	por !p2, !p3;
	s22 =	sadd.s32 s21, s22;
	s23 =	spop (v2sf)  }
0xef: {  	p6 =	por !p3, !p3;
	p2 =	sge.s32 s22, s4;
	s30 =	sadd.s32 s22, s23  }
0xf0: {  	p3 =	slt.s32 s22, s4;
	p1 =	por !p1, !p2;
	p0 =	sge.s32 s30, s4  }
0xf1: {  	s12 =	smov.u32 @p6 s16;
	p1 =	por !p1, !p1;
	p0 =	por !p3, !p0  }
0xf2: {  	s12 =	smov.u32 @p1 s17;
	p0 =	por !p0, !p0  }
0xf3: {  	s12 =	smov.u32 @p0 s15  }
0xf4: {  	s15 =	sshll.u32 s12, $0x4  }
0xf5: {  	v6 =	vld [tilespmem:s15+$0x8000];
	_ =	sdelay $0x4  }
0xf6: {  	v7 =	vperm.xlane v6, v5;
	_ =	sdelay $0x1  }
0xf7: {  	(xrf0) =	vadd.scan.msk.s32 $0xffff, v7;
	_ =	sdelay $0x1  }
0xf8: {  	s13 =	smov.u32 @p4 s18  }
0xf9: {  	s13 =	smov.u32 @p5 s14  }
0xfa: {  	s13 =	smov.u32 @p6 s20  }
0xfb: {  	s13 =	smov.u32 @p1 s21  }
0xfc: {  	s13 =	smov.u32 @p0 s22;
	v8, _, _ =	vpop (xrf0)  }
0xfd: {  	v6 =	vadd.s32 s13, v8  }
0xfe: {  	vm2 =	vge.s32 v6, v1  }
0xff: {  	v6 =	vsel vm2, $0x1, v2  }
0x100: {  	(xrf0) =	vadd.scan.msk.s32 $0xffff, v6;
	_ =	sdelay $0x5  }
0x101: {  	v6, _, _ =	vpop (xrf0)  }
0x102: {  	(v2sf) =	vpush v6, $0xF;
	_ =	sdelay $0xe  }
0x103: {  	s12 =	spop (v2sf)  }
0x104: {  	s31 =	sadd.s32 s15, s12  }
0x105: {  	s14 =	sadd.s32 $0x1BFF, s31  }
0x106: {  	v6 =	vimm.s32 $0x0;
	s15 =	simm.s32 $0x0;
	v9 =	vmov s14  }
.LBB2_15:
0x107: {  	s16 =	sshra.s32 s15, $0x2  }
0x108: {  	v10 =	vld [tilespmem:s16+$0x0];
	_ =	sdelay $0x4  }
0x109: {  	v11 =	vshrl.u32 v10, $0x11  }
0x10a: {  	vm2 =	veq.s32 v11, v9;
	v11 =	vshll.u32 v6, $0x4  }
0x10b: {  	v11 =	vor.u32 v0, v11;
	_ =	sdelay $0x4  }
0x10c: {  	[tilespmem:v11+s8+$0x0] =	vst.idx.msk vm2, v10  }
0x10d: {  	v10 =	vld [tilespmem:s16+$0x10];
	_ =	sdelay $0x3  }
0x10e: {  	v11 =	vsel vm2, $0x1, v2  }
0x10f: {  	v6 =	vadd.s32 v11, v6;
	v11 =	vshrl.u32 v10, $0x11  }
0x110: {  	vm2 =	veq.s32 v11, v9;
	v11 =	vshll.u32 v6, $0x4  }
0x111: {  	v11 =	vor.u32 v0, v11;
	_ =	sdelay $0x4  }
0x112: {  	[tilespmem:v11+s8+$0x0] =	vst.idx.msk vm2, v10  }
0x113: {  	v10 =	vld [tilespmem:s16+$0x20];
	_ =	sdelay $0x3  }
0x114: {  	v11 =	vsel vm2, $0x1, v2  }
0x115: {  	v6 =	vadd.s32 v11, v6;
	v11 =	vshrl.u32 v10, $0x11  }
0x116: {  	vm2 =	veq.s32 v11, v9;
	v11 =	vshll.u32 v6, $0x4  }
0x117: {  	v11 =	vor.u32 v0, v11;
	_ =	sdelay $0x4  }
0x118: {  	[tilespmem:v11+s8+$0x0] =	vst.idx.msk vm2, v10  }
0x119: {  	v10 =	vld [tilespmem:s16+$0x30];
	_ =	sdelay $0x3  }
0x11a: {  	v11 =	vsel vm2, $0x1, v2  }
0x11b: {  	v6 =	vadd.s32 v11, v6;
	v11 =	vshrl.u32 v10, $0x11  }
0x11c: {  	vm2 =	veq.s32 v11, v9;
	v11 =	vshll.u32 v6, $0x4  }
0x11d: {  	v11 =	vor.u32 v0, v11;
	_ =	sdelay $0x4  }
0x11e: {  	[tilespmem:v11+s8+$0x0] =	vst.idx.msk vm2, v10  }
0x11f: {  	v10 =	vld [tilespmem:s16+$0x40];
	_ =	sdelay $0x3  }
0x120: {  	v11 =	vsel vm2, $0x1, v2  }
0x121: {  	v6 =	vadd.s32 v11, v6;
	v11 =	vshrl.u32 v10, $0x11  }
0x122: {  	vm2 =	veq.s32 v11, v9;
	v11 =	vshll.u32 v6, $0x4  }
0x123: {  	v11 =	vor.u32 v0, v11;
	_ =	sdelay $0x4  }
0x124: {  	[tilespmem:v11+s8+$0x0] =	vst.idx.msk vm2, v10  }
0x125: {  	v10 =	vld [tilespmem:s16+$0x50];
	_ =	sdelay $0x3  }
0x126: {  	v11 =	vsel vm2, $0x1, v2  }
0x127: {  	v6 =	vadd.s32 v11, v6;
	v11 =	vshrl.u32 v10, $0x11  }
0x128: {  	vm2 =	veq.s32 v11, v9;
	v11 =	vshll.u32 v6, $0x4  }
0x129: {  	v11 =	vor.u32 v0, v11;
	_ =	sdelay $0x4  }
0x12a: {  	[tilespmem:v11+s8+$0x0] =	vst.idx.msk vm2, v10  }
0x12b: {  	v10 =	vld [tilespmem:s16+$0x60];
	_ =	sdelay $0x3  }
0x12c: {  	v11 =	vsel vm2, $0x1, v2  }
0x12d: {  	v6 =	vadd.s32 v11, v6;
	v11 =	vshrl.u32 v10, $0x11  }
0x12e: {  	vm2 =	veq.s32 v11, v9;
	v11 =	vshll.u32 v6, $0x4  }
0x12f: {  	v11 =	vor.u32 v0, v11;
	_ =	sdelay $0x4  }
0x130: {  	[tilespmem:v11+s8+$0x0] =	vst.idx.msk vm2, v10  }
0x131: {  	v10 =	vld [tilespmem:s16+$0x70];
	_ =	sdelay $0x3  }
0x132: {  	v11 =	vsel vm2, $0x1, v2  }
0x133: {  	v6 =	vadd.s32 v11, v6;
	v11 =	vshrl.u32 v10, $0x11  }
0x134: {  	vm2 =	veq.s32 v11, v9;
	v11 =	vshll.u32 v6, $0x4  }
0x135: {  	p0 =	sne.s32 s15, $0xFE00;
	v11 =	vor.u32 v0, v11  }
.Ltmp9:
0x136: {  	_ = 	snop;
	(pc) =	sbr.rel @p0 .LBB2_15-.Ltmp9, $3  }
0x137: {  	_ =	sdelay $0x1  }
0x138: {  	v12 =	vsel vm2, $0x1, v2  }
0x139: {  	s15 =	sadd.s32 $0x200, s15;
	v6 =	vadd.s32 v12, v6;
	[tilespmem:v11+s8+$0x0] =	vst.idx.msk vm2, v10  }
0x13a: {  	s12 =	ssub.s32 $0x10, s12  }
0x13b: {  	v9 =	vmov s12  }
0x13c: {  	vm2 =	veq.s32 v9, v0  }
0x13d: {  	v8 =	vnsel vm2, $0x0, v8  }
0x13e: {  	v7 =	vnsel vm2, $0x0, v7;
	(xrf0) =	vadd.scan.msk.s32 $0xffff, v8  }
0x13f: {  	(xrf0) =	vadd.scan.msk.s32 $0xffff, v7;
	v7 =	vxor.u32 $0x80000000, v6  }
0x140: {  	(xrf0) =	vmax.scan.msk.u32 $0xffff, v7;
	_ =	sdelay $0x3  }
0x141: {  	v7, _, _ =	vpop (xrf0)  }
0x142: {  	v8, _, _ =	vpop (xrf0);
	(v2sf) =	vpush v7, $0xF  }
0x143: {  	(v2sf) =	vpush v8, $0xF;
	v7, _, _ =	vpop (xrf0)  }
0x144: {  	(v2sf) =	vpush v7, $0xF;
	_ =	sdelay $0xa  }
0x145: {  	s17 =	sld [smem:$0x7FC]  }
0x146: {  	s31 =	sld [smem:$0x7FD]  }
.Ltmp10:
0x147: {  	s16 =	sshll.u32 s14, $0x11;
	s29 =	spop (v2sf);
	(pc) =	sbr.rel .LBB2_17-.Ltmp10, $4  }
0x148: {  	s14 =	sadd.s32 $0x20000, s16;
	s15 =	spop (v2sf)  }
0x149: {  	p2 =	seq.s32 s17, $0x1;
	s12 =	sadd.s32 s29, s13;
	s30 =	spop (v2sf)  }
0x14a: {  	p3 =	seq.s32 s31, $0x1;
	s12 =	ssub.s32 s4, s12;
	s13 =	sxor.u32 $0x80000000, s30  }
0x14b: {  	s12 =	sadd.s32 s15, s12;
	s15 =	simm.s32 $0x0;
	p4 =	slt.s32 s13, $0x1  }
.LBB2_18:
0x14c: {  	v7 =	vimm.s32 $0x0  }
.LBB2_26:
0x14d: {  	(xrf0) =	vadd.scan.msk.s32 $0xffff, v7;
	_ =	sdelay $0x5  }
0x14e: {  	v7, _, _ =	vpop (xrf0)  }
0x14f: {  	(v2sf) =	vpush v7, $0xF;
	_ =	sdelay $0xb  }
0x150: {  	s15 =	sadd.s32 $0x1, s15  }
0x151: {  	p1 =	sne.s32 s15, $0x11  }
.Ltmp11:
0x152: {  	_ = 	snop;
	(pc) =	sbr.rel @!p1 .LBB2_27-.Ltmp11, $4  }
0x153: {  	s18 =	spop (v2sf)  }
0x154: {  	p0 =	slt.s32 s18, s12;
	s18 =	smov.u32 s17  }
0x155: {  	s18 =	smov.u32 @p0 s16  }
0x156: {  	s14 =	smov.u32 @p0 s17;
	s16 =	smov.u32 s18  }
.LBB2_17:
.Ltmp12:
0x157: {  	(pc) =	sbr.rel @p4 .LBB2_18-.Ltmp12, $3  }
0x158: {  	_ =	sdelay $0x1  }
0x159: {  	s17 =	sadd.s32 s16, s14  }
0x15a: {  	s17 =	sshra.s32 s17, $0x1  }
0x15b: {  	p0 =	sne.s32 s13, $0x1  }
.Ltmp13:
0x15c: {  	_ = 	snop;
	(pc) =	sbr.rel @!p0 .LBB2_20-.Ltmp13, $3  }
0x15d: {  	_ =	sdelay $0x1  }
0x15e: {  	s20 =	simm.s32 $0x8400  }
0x15f: {  	v8 =	vmov s17;
	s19 =	simm.s32 $0x0;
	v7 =	vimm.s32 $0x0;
	s18 =	simm.s32 $0x1;
	p5 =	por $0x0, $0x0;
	v9 =	vld [tilespmem:s20+$0x0]  }
0x160: {  	_ = 	snop  }
0x161: {  	p0 =	sne.s32 s13, $0x2  }
.Ltmp14:
0x162: {  	_ = 	snop;
	(pc) =	sbr.rel @!p0 .LBB2_22-.Ltmp14, $4  }
0x163: {  	_ = 	snop  }
0x164: {  	vm2 =	vgt.s32 v6, s19;
	vm3 =	vge.s32 v9, v8  }
0x165: {  	s19 =	simm.s32 $0x8410;
	vm2 =	vmand vm2, vm3  }
0x166: {  	s20 =	simm.s32 $0x2;
	p5 =	por $0x1, $0x1;
	v10 =	vimm.s32 $0x0;
	v9 =	vld [tilespmem:s19+$0x0];
	v11 =	vsel vm2, $0x1, v2  }
.LBB2_23:
0x167: {  	s21 =	smov.u32 s20;
	s20 =	sadd.s32 $0x1, s20  }
0x168: {  	v10 =	vadd.s32 v11, v10;
	p0 =	sne.s32 s13, s20  }
.Ltmp15:
0x169: {  	(pc) =	sbr.rel @p0 .LBB2_23-.Ltmp15, $4  }
0x16a: {  	_ = 	snop  }
0x16b: {  	vm2 =	vgt.s32 v6, s18;
	s19 =	sadd.s32 $0x10, s19;
	s18 =	smov.u32 s21;
	vm3 =	vge.s32 v9, v8  }
0x16c: {  	v9 =	vld [tilespmem:s19+$0x0];
	vm2 =	vmand vm2, vm3  }
0x16d: {  	v11 =	vsel vm2, $0x1, v2  }
0x16e: {  	s19 =	smov.u32 s18  }
.LBB2_25:
0x16f: {  	_ = 	snop  }
.Ltmp16:
0x170: {  	_ = 	snop;
	(pc) =	sbr.rel .LBB2_26-.Ltmp16, $4  }
0x171: {  	vm2 =	vgt.s32 v6, s19;
	vm3 =	vge.s32 v9, v8  }
0x172: {  	v8 =	vadd.s32 @p5 v11, v10;
	vm2 =	vmand vm2, vm3  }
0x173: {  	v7 =	vpsel p5, v8, v7;
	v63 =	vsel vm2, $0x1, v2  }
0x174: {  	v7 =	vadd.s32 v63, v7  }
.LBB2_20:
.Ltmp17:
0x175: {  	(pc) =	sbr.rel .LBB2_25-.Ltmp17, $2  }
0x176: {  	_ =	sdelay $0x2  }
0x177: {  	v10 =	vimm.s32 $0x0  }
.LBB2_22:
.Ltmp18:
0x178: {  	(pc) =	sbr.rel .LBB2_25-.Ltmp18, $2  }
0x179: {  	_ =	sdelay $0x2  }
0x17a: {  	v10 =	vimm.s32 $0x0;
	s19 =	simm.s32 $0x1  }
.LBB2_27:
.Ltmp19:
0x17b: {  	(pc) =	sbr.rel @p4 .LBB2_28-.Ltmp19, $2  }
0x17c: {  	_ =	sdelay $0x2  }
0x17d: {  	v7 =	vmov s18  }
0x17e: {  	p0 =	sne.s32 s13, $0x1  }
.Ltmp20:
0x17f: {  	_ = 	snop;
	(pc) =	sbr.rel @!p0 .LBB2_30-.Ltmp20, $3  }
0x180: {  	s31 =	sld [smem:$0x7FB];
	_ =	sdelay $0x1  }
0x181: {  	s16 =	simm.s32 $0x8400;
	s15 =	simm.s32 $0x0  }
0x182: {  	v8 =	vimm.s32 $0x0;
	s14 =	simm.s32 $0x1;
	p4 =	por $0x0, $0x0;
	v9 =	vld [tilespmem:s16+$0x0];
	p1 =	seq.s32 s31, $0x1  }
0x183: {  	_ = 	snop  }
0x184: {  	p0 =	sne.s32 s13, $0x2  }
.Ltmp21:
0x185: {  	_ = 	snop;
	(pc) =	sbr.rel @!p0 .LBB2_32-.Ltmp21, $4  }
0x186: {  	_ = 	snop  }
0x187: {  	vm2 =	vgt.s32 v6, s15;
	vm3 =	vge.s32 v9, v7  }
0x188: {  	s15 =	simm.s32 $0x8410;
	vm2 =	vmand vm2, vm3  }
0x189: {  	s16 =	simm.s32 $0x2;
	p4 =	por $0x1, $0x1;
	v10 =	vimm.s32 $0x0;
	v9 =	vld [tilespmem:s15+$0x0];
	v11 =	vsel vm2, $0x1, v2  }
.LBB2_33:
0x18a: {  	s17 =	smov.u32 s16;
	s16 =	sadd.s32 $0x1, s16  }
0x18b: {  	v10 =	vadd.s32 v11, v10;
	p0 =	sne.s32 s13, s16  }
.Ltmp22:
0x18c: {  	(pc) =	sbr.rel @p0 .LBB2_33-.Ltmp22, $4  }
0x18d: {  	_ = 	snop  }
0x18e: {  	vm2 =	vgt.s32 v6, s14;
	s15 =	sadd.s32 $0x10, s15;
	s14 =	smov.u32 s17;
	vm3 =	vge.s32 v9, v7  }
0x18f: {  	v9 =	vld [tilespmem:s15+$0x0];
	vm2 =	vmand vm2, vm3  }
0x190: {  	v11 =	vsel vm2, $0x1, v2  }
0x191: {  	s15 =	smov.u32 s14  }
.LBB2_35:
0x192: {  	_ = 	snop  }
.Ltmp23:
0x193: {  	_ = 	snop;
	(pc) =	sbr.rel .LBB2_36-.Ltmp23, $4  }
0x194: {  	vm2 =	vgt.s32 v6, s15;
	vm3 =	vge.s32 v9, v7  }
0x195: {  	v6 =	vadd.s32 @p4 v11, v10;
	vm2 =	vmand vm2, vm3  }
0x196: {  	v6 =	vpsel p4, v6, v8;
	v63 =	vsel vm2, $0x1, v2  }
0x197: {  	v6 =	vadd.s32 v63, v6  }
.LBB2_30:
.Ltmp24:
0x198: {  	(pc) =	sbr.rel .LBB2_35-.Ltmp24, $2  }
0x199: {  	_ =	sdelay $0x2  }
0x19a: {  	v10 =	vimm.s32 $0x0  }
.LBB2_32:
.Ltmp25:
0x19b: {  	(pc) =	sbr.rel .LBB2_35-.Ltmp25, $2  }
0x19c: {  	_ =	sdelay $0x2  }
0x19d: {  	v10 =	vimm.s32 $0x0;
	s15 =	simm.s32 $0x1  }
.LBB2_38:
0x19e: {  	_ =	sfence.sel $0x180000  }
0x19f: {  	[bflag:$0x0] =	sbarrier.arrive $0xFFFF  }
0x1a0: {  	p0 =	sne.s32 s1, $0x0;
	_ =	strace $0x90000047  }
0x1a1: {  	s0 =	sadd.s32 @!p0 $0x100000, s0;
	[bflag:$0x2] =	sbarrier.arrive $0xFFFF  }
0x1a2: {  	[sflag:s0] =	ssyncadd.tile.s32 @!p0 $0x1;
	_ =	shalt  }
.Lfunc_end2:
_tile_overlayer_lowered:
.L_overlay_start_2:
0x1a3: {  	(tag) =	ssettag $0x2  }
0x1a4: {  	s0 =	rddreg [dreg:$0x0];
	s2 =	stileid.u32  }
0x1a5: {  	s1 =	rddreg [dreg:$0x1];
	p0 =	sne.s32 s2, $0x0  }
0x1a6: {  	s3 =	rddreg [dreg:$0x2];
	[bflag:$0x3] =	sbarrier.arrive $0xFFFF;
	s2 =	simm.s32 @!p0 $0x1C01  }
0x1a7: {  	[timem:s3], [sflag:s2] =	dma.local @!p0 [hbm:s0], s1  }
0x1a8: {  	s0 =	simm.s32 @!p0 $0x1  }
0x1a9: {  	_ =	swait.ge @!p0 [sflag:s0], s1  }
0x1aa: {  	s1 =	ssub.s32 @!p0 $0x0, s1;
	[sflag:s0] =	ssyncset.done @!p0 $0x0  }
0x1ab: {  	[sflag:s0] =	ssyncadd.s32 @!p0 s1  }
0x1ac: {  	[bflag:$0x3] =	sbarrier.arrive $0xFFFF  }
0x1ad: {  	_ =	shalt  }

</sc_bundles>
